<compile_context>
chip_gen: v7x
topology: tpu7x:2x2x1
jax: 0.10.2.dev20260603
libtpu: 0.0.44.dev20260713+nightly
codegen_flags: <defaults>
</compile_context>

<pallas_src>
import functools

import jax
import jax.numpy as jnp
from jax import lax
from jax.experimental import pallas as pl
from jax.experimental.pallas import tpu as pltpu
from jax.experimental.pallas import tpu_sc as plsc

_BATCH = 4
_SEQ = 8192
_D = 1024
_NUM_CORES = 2
_NUM_SUBCORES = 16
_NW = _NUM_CORES * _NUM_SUBCORES
_ROWS_PER_W = _SEQ // _NW
_CHUNK = 32
_NCHUNK = _ROWS_PER_W // _CHUNK


@functools.partial(
    pl.kernel,
    mesh=plsc.VectorSubcoreMesh(core_axis_name="c", subcore_axis_name="s"),
    out_type=jax.ShapeDtypeStruct((_BATCH * _SEQ, _D), jnp.float32),
    scratch_types=[
        pltpu.VMEM((_CHUNK, _D), jnp.float32),
        pltpu.VMEM((_CHUNK, _D), jnp.float32),
        pltpu.SemaphoreType.DMA,
        pltpu.SemaphoreType.DMA,
    ],
)
def _sc_copy(emb_hbm, out_hbm, buf0, buf1, rd_sem, wr_sem):
    wid = lax.axis_index("s") * _NUM_CORES + lax.axis_index("c")
    base = wid * _ROWS_PER_W
    bufs = (buf0, buf1)

    def read(c):
        off = base + c * _CHUNK
        return pltpu.make_async_copy(
            emb_hbm.at[pl.ds(off, _CHUNK)], bufs[c % 2], rd_sem
        )

    def writes(c):
        off = base + c * _CHUNK
        return [
            pltpu.make_async_copy(
                bufs[c % 2], out_hbm.at[pl.ds(b * _SEQ + off, _CHUNK)], wr_sem
            )
            for b in range(_BATCH)
        ]

    read(0).start()
    pending = []
    for c in range(_NCHUNK):
        read(c).wait()
        ws = writes(c)
        for w in ws:
            w.start()
        if c + 1 < _NCHUNK:
            if pending:
                for w in pending:
                    w.wait()
            pending = ws
            read(c + 1).start()
    for w in pending:
        w.wait()
    for w in ws:
        w.wait()


def kernel(x, emb):
    batch, seq_len, d_model = x.shape
    out = _sc_copy(emb[:seq_len])
    return out.reshape(batch, seq_len, d_model)

# --- scband reference (transcript-rebuilt; emitter-appended) ---
"""Pipeline reference for scband-positional-encoding-59425167507539 (READ-ONLY COPY).

The authoritative reference and input builder live on the scoring server;
editing this copy changes nothing except your own understanding.
"""

import jax, jax.numpy as jnp
import numpy as np

BATCH = 4
SEQ_LEN = 8192
D_MODEL = 1024
MAX_LEN = 8192

def setup_inputs(seed: int = 0) -> dict:
    key = jax.random.key(seed)
    k1, k2 = jax.random.split(key)
    x = jax.random.normal(k1, (BATCH, SEQ_LEN, D_MODEL), dtype=jnp.float32)
    # xavier_uniform_ init for embedding weight of shape (max_len, d_model)
    limit = float(np.sqrt(6.0 / (MAX_LEN + D_MODEL)))
    emb = jax.random.uniform(k2, (MAX_LEN, D_MODEL), dtype=jnp.float32, minval=-limit, maxval=limit)
    return {"x": x, "emb": emb}

def reference(x, emb):
    batch_size, seq_len, d_model = x.shape
    # pos = torch.arange(seq_len).repeat(batch_size, 1)
    pos = jnp.broadcast_to(jnp.arange(seq_len), (batch_size, seq_len))
    # embedding lookup: gather rows of the table
    out = jnp.take(emb, pos, axis=0)
    # dropout with p=0.0 is identity
    return out

if __name__ == "__main__":
    import jax
    _d = setup_inputs()
    print(jax.jit(kernel)(*tuple(_d.values())))

</pallas_src>

<mosaic_0001>
#map = affine_map<(d0, d1) -> (0, 0)>
module attributes {stable_mosaic.version = 14 : i64} {
  func.func @_sc_copy(%arg0: i32, %arg1: i32, %arg2: memref<8192x1024xf32, #tpu.memory_space<hbm>>, %arg3: memref<32768x1024xf32, #tpu.memory_space<hbm>>, %arg4: memref<32x1024xf32, #tpu.memory_space<vmem>>, %arg5: memref<32x1024xf32, #tpu.memory_space<vmem>>, %arg6: memref<!tpu.dma_semaphore, #tpu.memory_space<semaphore_mem>>, %arg7: memref<!tpu.dma_semaphore, #tpu.memory_space<semaphore_mem>>) attributes {dimension_semantics = [#tpu.dimension_semantics<core_parallel>, #tpu.dimension_semantics<subcore_parallel>], iteration_bounds = array<i64: 2, 16>, scalar_prefetch = 0 : i64, scratch_operands = 4 : i64, tpu.core_type = #tpu.core_type<sc_vector_subcore>, window_params = [{transform_indices = #map}, {transform_indices = #map}]} {
    %mul3A = arith.constant 2 : i32
    %mul3A_0 = arith.muli %arg1, %mul3A : i32
    %add3A = arith.addi %mul3A_0, %arg0 : i32
    %mul3A_1 = arith.constant 256 : i32
    %mul3A_2 = arith.muli %add3A, %mul3A_1 : i32
    %add3A_3 = arith.constant 0 : i32
    %add3A_4 = arith.addi %mul3A_2, %add3A_3 : i32
    %dma_start3A = arith.constant 0 : i32
    %dma_start3A_5 = tpu.memref_slice %arg2[%add3A_4, %dma_start3A] : memref<8192x1024xf32, #tpu.memory_space<hbm>> -> memref<32x1024xf32, #tpu.memory_space<hbm>>
    %dma_start3A_6 = arith.constant 0 : i32
    %dma_start3A_7 = tpu.memref_slice %arg2[%add3A_4, %dma_start3A_6] : memref<8192x1024xf32, #tpu.memory_space<hbm>> -> memref<32x1024xf32, #tpu.memory_space<hbm>>
    tpu.enqueue_dma source(%dma_start3A_7 : memref<32x1024xf32, #tpu.memory_space<hbm>>) target(%arg4 : memref<32x1024xf32, #tpu.memory_space<vmem>>) target_semaphore(%arg6 : memref<!tpu.dma_semaphore, #tpu.memory_space<semaphore_mem>>)
    %add3A_8 = arith.constant 0 : i32
    %add3A_9 = arith.addi %mul3A_2, %add3A_8 : i32
    %dma_wait3A = arith.constant 0 : i32
    %dma_wait3A_10 = tpu.memref_slice %arg2[%add3A_9, %dma_wait3A] : memref<8192x1024xf32, #tpu.memory_space<hbm>> -> memref<32x1024xf32, #tpu.memory_space<hbm>>
    %dma_wait3A_11 = arith.constant 0 : i32
    %dma_wait3A_12 = tpu.memref_slice %arg2[%add3A_9, %dma_wait3A_11] : memref<8192x1024xf32, #tpu.memory_space<hbm>> -> memref<32x1024xf32, #tpu.memory_space<hbm>>
    tpu.wait_dma2 semaphore(%arg6 : memref<!tpu.dma_semaphore, #tpu.memory_space<semaphore_mem>>) src(%dma_wait3A_12 : memref<32x1024xf32, #tpu.memory_space<hbm>>) dst(%arg4 : memref<32x1024xf32, #tpu.memory_space<vmem>>)
    %add3A_13 = arith.constant 0 : i32
    %add3A_14 = arith.addi %mul3A_2, %add3A_13 : i32
    %add3A_15 = arith.constant 0 : i32
    %add3A_16 = arith.addi %add3A_15, %add3A_14 : i32
    %add3A_17 = arith.constant 8192 : i32
    %add3A_18 = arith.addi %add3A_17, %add3A_14 : i32
    %add3A_19 = arith.constant 16384 : i32
    %add3A_20 = arith.addi %add3A_19, %add3A_14 : i32
    %add3A_21 = arith.constant 24576 : i32
    %add3A_22 = arith.addi %add3A_21, %add3A_14 : i32
    %dma_start3A_23 = arith.constant 0 : i32
    %dma_start3A_24 = tpu.memref_slice %arg3[%add3A_16, %dma_start3A_23] : memref<32768x1024xf32, #tpu.memory_space<hbm>> -> memref<32x1024xf32, #tpu.memory_space<hbm>>
    %dma_start3A_25 = arith.constant 0 : i32
    %dma_start3A_26 = tpu.memref_slice %arg3[%add3A_16, %dma_start3A_25] : memref<32768x1024xf32, #tpu.memory_space<hbm>> -> memref<32x1024xf32, #tpu.memory_space<hbm>>
    tpu.enqueue_dma source(%arg4 : memref<32x1024xf32, #tpu.memory_space<vmem>>) target(%dma_start3A_26 : memref<32x1024xf32, #tpu.memory_space<hbm>>) target_semaphore(%arg7 : memref<!tpu.dma_semaphore, #tpu.memory_space<semaphore_mem>>)
    %dma_start3A_27 = arith.constant 0 : i32
    %dma_start3A_28 = tpu.memref_slice %arg3[%add3A_18, %dma_start3A_27] : memref<32768x1024xf32, #tpu.memory_space<hbm>> -> memref<32x1024xf32, #tpu.memory_space<hbm>>
    %dma_start3A_29 = arith.constant 0 : i32
    %dma_start3A_30 = tpu.memref_slice %arg3[%add3A_18, %dma_start3A_29] : memref<32768x1024xf32, #tpu.memory_space<hbm>> -> memref<32x1024xf32, #tpu.memory_space<hbm>>
    tpu.enqueue_dma source(%arg4 : memref<32x1024xf32, #tpu.memory_space<vmem>>) target(%dma_start3A_30 : memref<32x1024xf32, #tpu.memory_space<hbm>>) target_semaphore(%arg7 : memref<!tpu.dma_semaphore, #tpu.memory_space<semaphore_mem>>)
    %dma_start3A_31 = arith.constant 0 : i32
    %dma_start3A_32 = tpu.memref_slice %arg3[%add3A_20, %dma_start3A_31] : memref<32768x1024xf32, #tpu.memory_space<hbm>> -> memref<32x1024xf32, #tpu.memory_space<hbm>>
    %dma_start3A_33 = arith.constant 0 : i32
    %dma_start3A_34 = tpu.memref_slice %arg3[%add3A_20, %dma_start3A_33] : memref<32768x1024xf32, #tpu.memory_space<hbm>> -> memref<32x1024xf32, #tpu.memory_space<hbm>>
    tpu.enqueue_dma source(%arg4 : memref<32x1024xf32, #tpu.memory_space<vmem>>) target(%dma_start3A_34 : memref<32x1024xf32, #tpu.memory_space<hbm>>) target_semaphore(%arg7 : memref<!tpu.dma_semaphore, #tpu.memory_space<semaphore_mem>>)
    %dma_start3A_35 = arith.constant 0 : i32
    %dma_start3A_36 = tpu.memref_slice %arg3[%add3A_22, %dma_start3A_35] : memref<32768x1024xf32, #tpu.memory_space<hbm>> -> memref<32x1024xf32, #tpu.memory_space<hbm>>
    %dma_start3A_37 = arith.constant 0 : i32
    %dma_start3A_38 = tpu.memref_slice %arg3[%add3A_22, %dma_start3A_37] : memref<32768x1024xf32, #tpu.memory_space<hbm>> -> memref<32x1024xf32, #tpu.memory_space<hbm>>
    tpu.enqueue_dma source(%arg4 : memref<32x1024xf32, #tpu.memory_space<vmem>>) target(%dma_start3A_38 : memref<32x1024xf32, #tpu.memory_space<hbm>>) target_semaphore(%arg7 : memref<!tpu.dma_semaphore, #tpu.memory_space<semaphore_mem>>)
    %add3A_39 = arith.constant 32 : i32
    %add3A_40 = arith.addi %mul3A_2, %add3A_39 : i32
    %dma_start3A_41 = arith.constant 0 : i32
    %dma_start3A_42 = tpu.memref_slice %arg2[%add3A_40, %dma_start3A_41] : memref<8192x1024xf32, #tpu.memory_space<hbm>> -> memref<32x1024xf32, #tpu.memory_space<hbm>>
    %dma_start3A_43 = arith.constant 0 : i32
    %dma_start3A_44 = tpu.memref_slice %arg2[%add3A_40, %dma_start3A_43] : memref<8192x1024xf32, #tpu.memory_space<hbm>> -> memref<32x1024xf32, #tpu.memory_space<hbm>>
    tpu.enqueue_dma source(%dma_start3A_44 : memref<32x1024xf32, #tpu.memory_space<hbm>>) target(%arg5 : memref<32x1024xf32, #tpu.memory_space<vmem>>) target_semaphore(%arg6 : memref<!tpu.dma_semaphore, #tpu.memory_space<semaphore_mem>>)
    %add3A_45 = arith.constant 32 : i32
    %add3A_46 = arith.addi %mul3A_2, %add3A_45 : i32
    %dma_wait3A_47 = arith.constant 0 : i32
    %dma_wait3A_48 = tpu.memref_slice %arg2[%add3A_46, %dma_wait3A_47] : memref<8192x1024xf32, #tpu.memory_space<hbm>> -> memref<32x1024xf32, #tpu.memory_space<hbm>>
    %dma_wait3A_49 = arith.constant 0 : i32
    %dma_wait3A_50 = tpu.memref_slice %arg2[%add3A_46, %dma_wait3A_49] : memref<8192x1024xf32, #tpu.memory_space<hbm>> -> memref<32x1024xf32, #tpu.memory_space<hbm>>
    tpu.wait_dma2 semaphore(%arg6 : memref<!tpu.dma_semaphore, #tpu.memory_space<semaphore_mem>>) src(%dma_wait3A_50 : memref<32x1024xf32, #tpu.memory_space<hbm>>) dst(%arg5 : memref<32x1024xf32, #tpu.memory_space<vmem>>)
    %add3A_51 = arith.constant 32 : i32
    %add3A_52 = arith.addi %mul3A_2, %add3A_51 : i32
    %add3A_53 = arith.constant 0 : i32
    %add3A_54 = arith.addi %add3A_53, %add3A_52 : i32
    %add3A_55 = arith.constant 8192 : i32
    %add3A_56 = arith.addi %add3A_55, %add3A_52 : i32
    %add3A_57 = arith.constant 16384 : i32
    %add3A_58 = arith.addi %add3A_57, %add3A_52 : i32
    %add3A_59 = arith.constant 24576 : i32
    %add3A_60 = arith.addi %add3A_59, %add3A_52 : i32
    %dma_start3A_61 = arith.constant 0 : i32
    %dma_start3A_62 = tpu.memref_slice %arg3[%add3A_54, %dma_start3A_61] : memref<32768x1024xf32, #tpu.memory_space<hbm>> -> memref<32x1024xf32, #tpu.memory_space<hbm>>
    %dma_start3A_63 = arith.constant 0 : i32
    %dma_start3A_64 = tpu.memref_slice %arg3[%add3A_54, %dma_start3A_63] : memref<32768x1024xf32, #tpu.memory_space<hbm>> -> memref<32x1024xf32, #tpu.memory_space<hbm>>
    tpu.enqueue_dma source(%arg5 : memref<32x1024xf32, #tpu.memory_space<vmem>>) target(%dma_start3A_64 : memref<32x1024xf32, #tpu.memory_space<hbm>>) target_semaphore(%arg7 : memref<!tpu.dma_semaphore, #tpu.memory_space<semaphore_mem>>)
    %dma_start3A_65 = arith.constant 0 : i32
    %dma_start3A_66 = tpu.memref_slice %arg3[%add3A_56, %dma_start3A_65] : memref<32768x1024xf32, #tpu.memory_space<hbm>> -> memref<32x1024xf32, #tpu.memory_space<hbm>>
    %dma_start3A_67 = arith.constant 0 : i32
    %dma_start3A_68 = tpu.memref_slice %arg3[%add3A_56, %dma_start3A_67] : memref<32768x1024xf32, #tpu.memory_space<hbm>> -> memref<32x1024xf32, #tpu.memory_space<hbm>>
    tpu.enqueue_dma source(%arg5 : memref<32x1024xf32, #tpu.memory_space<vmem>>) target(%dma_start3A_68 : memref<32x1024xf32, #tpu.memory_space<hbm>>) target_semaphore(%arg7 : memref<!tpu.dma_semaphore, #tpu.memory_space<semaphore_mem>>)
    %dma_start3A_69 = arith.constant 0 : i32
    %dma_start3A_70 = tpu.memref_slice %arg3[%add3A_58, %dma_start3A_69] : memref<32768x1024xf32, #tpu.memory_space<hbm>> -> memref<32x1024xf32, #tpu.memory_space<hbm>>
    %dma_start3A_71 = arith.constant 0 : i32
    %dma_start3A_72 = tpu.memref_slice %arg3[%add3A_58, %dma_start3A_71] : memref<32768x1024xf32, #tpu.memory_space<hbm>> -> memref<32x1024xf32, #tpu.memory_space<hbm>>
    tpu.enqueue_dma source(%arg5 : memref<32x1024xf32, #tpu.memory_space<vmem>>) target(%dma_start3A_72 : memref<32x1024xf32, #tpu.memory_space<hbm>>) target_semaphore(%arg7 : memref<!tpu.dma_semaphore, #tpu.memory_space<semaphore_mem>>)
    %dma_start3A_73 = arith.constant 0 : i32
    %dma_start3A_74 = tpu.memref_slice %arg3[%add3A_60, %dma_start3A_73] : memref<32768x1024xf32, #tpu.memory_space<hbm>> -> memref<32x1024xf32, #tpu.memory_space<hbm>>
    %dma_start3A_75 = arith.constant 0 : i32
    %dma_start3A_76 = tpu.memref_slice %arg3[%add3A_60, %dma_start3A_75] : memref<32768x1024xf32, #tpu.memory_space<hbm>> -> memref<32x1024xf32, #tpu.memory_space<hbm>>
    tpu.enqueue_dma source(%arg5 : memref<32x1024xf32, #tpu.memory_space<vmem>>) target(%dma_start3A_76 : memref<32x1024xf32, #tpu.memory_space<hbm>>) target_semaphore(%arg7 : memref<!tpu.dma_semaphore, #tpu.memory_space<semaphore_mem>>)
    %dma_wait3A_77 = arith.constant 0 : i32
    %dma_wait3A_78 = tpu.memref_slice %arg3[%add3A_16, %dma_wait3A_77] : memref<32768x1024xf32, #tpu.memory_space<hbm>> -> memref<32x1024xf32, #tpu.memory_space<hbm>>
    %dma_wait3A_79 = arith.constant 0 : i32
    %dma_wait3A_80 = tpu.memref_slice %arg3[%add3A_16, %dma_wait3A_79] : memref<32768x1024xf32, #tpu.memory_space<hbm>> -> memref<32x1024xf32, #tpu.memory_space<hbm>>
    tpu.wait_dma2 semaphore(%arg7 : memref<!tpu.dma_semaphore, #tpu.memory_space<semaphore_mem>>) src(%arg4 : memref<32x1024xf32, #tpu.memory_space<vmem>>) dst(%dma_wait3A_80 : memref<32x1024xf32, #tpu.memory_space<hbm>>)
    %dma_wait3A_81 = arith.constant 0 : i32
    %dma_wait3A_82 = tpu.memref_slice %arg3[%add3A_18, %dma_wait3A_81] : memref<32768x1024xf32, #tpu.memory_space<hbm>> -> memref<32x1024xf32, #tpu.memory_space<hbm>>
    %dma_wait3A_83 = arith.constant 0 : i32
    %dma_wait3A_84 = tpu.memref_slice %arg3[%add3A_18, %dma_wait3A_83] : memref<32768x1024xf32, #tpu.memory_space<hbm>> -> memref<32x1024xf32, #tpu.memory_space<hbm>>
    tpu.wait_dma2 semaphore(%arg7 : memref<!tpu.dma_semaphore, #tpu.memory_space<semaphore_mem>>) src(%arg4 : memref<32x1024xf32, #tpu.memory_space<vmem>>) dst(%dma_wait3A_84 : memref<32x1024xf32, #tpu.memory_space<hbm>>)
    %dma_wait3A_85 = arith.constant 0 : i32
    %dma_wait3A_86 = tpu.memref_slice %arg3[%add3A_20, %dma_wait3A_85] : memref<32768x1024xf32, #tpu.memory_space<hbm>> -> memref<32x1024xf32, #tpu.memory_space<hbm>>
    %dma_wait3A_87 = arith.constant 0 : i32
    %dma_wait3A_88 = tpu.memref_slice %arg3[%add3A_20, %dma_wait3A_87] : memref<32768x1024xf32, #tpu.memory_space<hbm>> -> memref<32x1024xf32, #tpu.memory_space<hbm>>
    tpu.wait_dma2 semaphore(%arg7 : memref<!tpu.dma_semaphore, #tpu.memory_space<semaphore_mem>>) src(%arg4 : memref<32x1024xf32, #tpu.memory_space<vmem>>) dst(%dma_wait3A_88 : memref<32x1024xf32, #tpu.memory_space<hbm>>)
    %dma_wait3A_89 = arith.constant 0 : i32
    %dma_wait3A_90 = tpu.memref_slice %arg3[%add3A_22, %dma_wait3A_89] : memref<32768x1024xf32, #tpu.memory_space<hbm>> -> memref<32x1024xf32, #tpu.memory_space<hbm>>
    %dma_wait3A_91 = arith.constant 0 : i32
    %dma_wait3A_92 = tpu.memref_slice %arg3[%add3A_22, %dma_wait3A_91] : memref<32768x1024xf32, #tpu.memory_space<hbm>> -> memref<32x1024xf32, #tpu.memory_space<hbm>>
    tpu.wait_dma2 semaphore(%arg7 : memref<!tpu.dma_semaphore, #tpu.memory_space<semaphore_mem>>) src(%arg4 : memref<32x1024xf32, #tpu.memory_space<vmem>>) dst(%dma_wait3A_92 : memref<32x1024xf32, #tpu.memory_space<hbm>>)
    %add3A_93 = arith.constant 64 : i32
    %add3A_94 = arith.addi %mul3A_2, %add3A_93 : i32
    %dma_start3A_95 = arith.constant 0 : i32
    %dma_start3A_96 = tpu.memref_slice %arg2[%add3A_94, %dma_start3A_95] : memref<8192x1024xf32, #tpu.memory_space<hbm>> -> memref<32x1024xf32, #tpu.memory_space<hbm>>
    %dma_start3A_97 = arith.constant 0 : i32
    %dma_start3A_98 = tpu.memref_slice %arg2[%add3A_94, %dma_start3A_97] : memref<8192x1024xf32, #tpu.memory_space<hbm>> -> memref<32x1024xf32, #tpu.memory_space<hbm>>
    tpu.enqueue_dma source(%dma_start3A_98 : memref<32x1024xf32, #tpu.memory_space<hbm>>) target(%arg4 : memref<32x1024xf32, #tpu.memory_space<vmem>>) target_semaphore(%arg6 : memref<!tpu.dma_semaphore, #tpu.memory_space<semaphore_mem>>)
    %add3A_99 = arith.constant 64 : i32
    %add3A_100 = arith.addi %mul3A_2, %add3A_99 : i32
    %dma_wait3A_101 = arith.constant 0 : i32
    %dma_wait3A_102 = tpu.memref_slice %arg2[%add3A_100, %dma_wait3A_101] : memref<8192x1024xf32, #tpu.memory_space<hbm>> -> memref<32x1024xf32, #tpu.memory_space<hbm>>
    %dma_wait3A_103 = arith.constant 0 : i32
    %dma_wait3A_104 = tpu.memref_slice %arg2[%add3A_100, %dma_wait3A_103] : memref<8192x1024xf32, #tpu.memory_space<hbm>> -> memref<32x1024xf32, #tpu.memory_space<hbm>>
    tpu.wait_dma2 semaphore(%arg6 : memref<!tpu.dma_semaphore, #tpu.memory_space<semaphore_mem>>) src(%dma_wait3A_104 : memref<32x1024xf32, #tpu.memory_space<hbm>>) dst(%arg4 : memref<32x1024xf32, #tpu.memory_space<vmem>>)
    %add3A_105 = arith.constant 64 : i32
    %add3A_106 = arith.addi %mul3A_2, %add3A_105 : i32
    %add3A_107 = arith.constant 0 : i32
    %add3A_108 = arith.addi %add3A_107, %add3A_106 : i32
    %add3A_109 = arith.constant 8192 : i32
    %add3A_110 = arith.addi %add3A_109, %add3A_106 : i32
    %add3A_111 = arith.constant 16384 : i32
    %add3A_112 = arith.addi %add3A_111, %add3A_106 : i32
    %add3A_113 = arith.constant 24576 : i32
    %add3A_114 = arith.addi %add3A_113, %add3A_106 : i32
    %dma_start3A_115 = arith.constant 0 : i32
    %dma_start3A_116 = tpu.memref_slice %arg3[%add3A_108, %dma_start3A_115] : memref<32768x1024xf32, #tpu.memory_space<hbm>> -> memref<32x1024xf32, #tpu.memory_space<hbm>>
    %dma_start3A_117 = arith.constant 0 : i32
    %dma_start3A_118 = tpu.memref_slice %arg3[%add3A_108, %dma_start3A_117] : memref<32768x1024xf32, #tpu.memory_space<hbm>> -> memref<32x1024xf32, #tpu.memory_space<hbm>>
    tpu.enqueue_dma source(%arg4 : memref<32x1024xf32, #tpu.memory_space<vmem>>) target(%dma_start3A_118 : memref<32x1024xf32, #tpu.memory_space<hbm>>) target_semaphore(%arg7 : memref<!tpu.dma_semaphore, #tpu.memory_space<semaphore_mem>>)
    %dma_start3A_119 = arith.constant 0 : i32
    %dma_start3A_120 = tpu.memref_slice %arg3[%add3A_110, %dma_start3A_119] : memref<32768x1024xf32, #tpu.memory_space<hbm>> -> memref<32x1024xf32, #tpu.memory_space<hbm>>
    %dma_start3A_121 = arith.constant 0 : i32
    %dma_start3A_122 = tpu.memref_slice %arg3[%add3A_110, %dma_start3A_121] : memref<32768x1024xf32, #tpu.memory_space<hbm>> -> memref<32x1024xf32, #tpu.memory_space<hbm>>
    tpu.enqueue_dma source(%arg4 : memref<32x1024xf32, #tpu.memory_space<vmem>>) target(%dma_start3A_122 : memref<32x1024xf32, #tpu.memory_space<hbm>>) target_semaphore(%arg7 : memref<!tpu.dma_semaphore, #tpu.memory_space<semaphore_mem>>)
    %dma_start3A_123 = arith.constant 0 : i32
    %dma_start3A_124 = tpu.memref_slice %arg3[%add3A_112, %dma_start3A_123] : memref<32768x1024xf32, #tpu.memory_space<hbm>> -> memref<32x1024xf32, #tpu.memory_space<hbm>>
    %dma_start3A_125 = arith.constant 0 : i32
    %dma_start3A_126 = tpu.memref_slice %arg3[%add3A_112, %dma_start3A_125] : memref<32768x1024xf32, #tpu.memory_space<hbm>> -> memref<32x1024xf32, #tpu.memory_space<hbm>>
    tpu.enqueue_dma source(%arg4 : memref<32x1024xf32, #tpu.memory_space<vmem>>) target(%dma_start3A_126 : memref<32x1024xf32, #tpu.memory_space<hbm>>) target_semaphore(%arg7 : memref<!tpu.dma_semaphore, #tpu.memory_space<semaphore_mem>>)
    %dma_start3A_127 = arith.constant 0 : i32
    %dma_start3A_128 = tpu.memref_slice %arg3[%add3A_114, %dma_start3A_127] : memref<32768x1024xf32, #tpu.memory_space<hbm>> -> memref<32x1024xf32, #tpu.memory_space<hbm>>
    %dma_start3A_129 = arith.constant 0 : i32
    %dma_start3A_130 = tpu.memref_slice %arg3[%add3A_114, %dma_start3A_129] : memref<32768x1024xf32, #tpu.memory_space<hbm>> -> memref<32x1024xf32, #tpu.memory_space<hbm>>
    tpu.enqueue_dma source(%arg4 : memref<32x1024xf32, #tpu.memory_space<vmem>>) target(%dma_start3A_130 : memref<32x1024xf32, #tpu.memory_space<hbm>>) target_semaphore(%arg7 : memref<!tpu.dma_semaphore, #tpu.memory_space<semaphore_mem>>)
    %dma_wait3A_131 = arith.constant 0 : i32
    %dma_wait3A_132 = tpu.memref_slice %arg3[%add3A_54, %dma_wait3A_131] : memref<32768x1024xf32, #tpu.memory_space<hbm>> -> memref<32x1024xf32, #tpu.memory_space<hbm>>
    %dma_wait3A_133 = arith.constant 0 : i32
    %dma_wait3A_134 = tpu.memref_slice %arg3[%add3A_54, %dma_wait3A_133] : memref<32768x1024xf32, #tpu.memory_space<hbm>> -> memref<32x1024xf32, #tpu.memory_space<hbm>>
    tpu.wait_dma2 semaphore(%arg7 : memref<!tpu.dma_semaphore, #tpu.memory_space<semaphore_mem>>) src(%arg5 : memref<32x1024xf32, #tpu.memory_space<vmem>>) dst(%dma_wait3A_134 : memref<32x1024xf32, #tpu.memory_space<hbm>>)
    %dma_wait3A_135 = arith.constant 0 : i32
    %dma_wait3A_136 = tpu.memref_slice %arg3[%add3A_56, %dma_wait3A_135] : memref<32768x1024xf32, #tpu.memory_space<hbm>> -> memref<32x1024xf32, #tpu.memory_space<hbm>>
    %dma_wait3A_137 = arith.constant 0 : i32
    %dma_wait3A_138 = tpu.memref_slice %arg3[%add3A_56, %dma_wait3A_137] : memref<32768x1024xf32, #tpu.memory_space<hbm>> -> memref<32x1024xf32, #tpu.memory_space<hbm>>
    tpu.wait_dma2 semaphore(%arg7 : memref<!tpu.dma_semaphore, #tpu.memory_space<semaphore_mem>>) src(%arg5 : memref<32x1024xf32, #tpu.memory_space<vmem>>) dst(%dma_wait3A_138 : memref<32x1024xf32, #tpu.memory_space<hbm>>)
    %dma_wait3A_139 = arith.constant 0 : i32
    %dma_wait3A_140 = tpu.memref_slice %arg3[%add3A_58, %dma_wait3A_139] : memref<32768x1024xf32, #tpu.memory_space<hbm>> -> memref<32x1024xf32, #tpu.memory_space<hbm>>
    %dma_wait3A_141 = arith.constant 0 : i32
    %dma_wait3A_142 = tpu.memref_slice %arg3[%add3A_58, %dma_wait3A_141] : memref<32768x1024xf32, #tpu.memory_space<hbm>> -> memref<32x1024xf32, #tpu.memory_space<hbm>>
    tpu.wait_dma2 semaphore(%arg7 : memref<!tpu.dma_semaphore, #tpu.memory_space<semaphore_mem>>) src(%arg5 : memref<32x1024xf32, #tpu.memory_space<vmem>>) dst(%dma_wait3A_142 : memref<32x1024xf32, #tpu.memory_space<hbm>>)
    %dma_wait3A_143 = arith.constant 0 : i32
    %dma_wait3A_144 = tpu.memref_slice %arg3[%add3A_60, %dma_wait3A_143] : memref<32768x1024xf32, #tpu.memory_space<hbm>> -> memref<32x1024xf32, #tpu.memory_space<hbm>>
    %dma_wait3A_145 = arith.constant 0 : i32
    %dma_wait3A_146 = tpu.memref_slice %arg3[%add3A_60, %dma_wait3A_145] : memref<32768x1024xf32, #tpu.memory_space<hbm>> -> memref<32x1024xf32, #tpu.memory_space<hbm>>
    tpu.wait_dma2 semaphore(%arg7 : memref<!tpu.dma_semaphore, #tpu.memory_space<semaphore_mem>>) src(%arg5 : memref<32x1024xf32, #tpu.memory_space<vmem>>) dst(%dma_wait3A_146 : memref<32x1024xf32, #tpu.memory_space<hbm>>)
    %add3A_147 = arith.constant 96 : i32
    %add3A_148 = arith.addi %mul3A_2, %add3A_147 : i32
    %dma_start3A_149 = arith.constant 0 : i32
    %dma_start3A_150 = tpu.memref_slice %arg2[%add3A_148, %dma_start3A_149] : memref<8192x1024xf32, #tpu.memory_space<hbm>> -> memref<32x1024xf32, #tpu.memory_space<hbm>>
    %dma_start3A_151 = arith.constant 0 : i32
    %dma_start3A_152 = tpu.memref_slice %arg2[%add3A_148, %dma_start3A_151] : memref<8192x1024xf32, #tpu.memory_space<hbm>> -> memref<32x1024xf32, #tpu.memory_space<hbm>>
    tpu.enqueue_dma source(%dma_start3A_152 : memref<32x1024xf32, #tpu.memory_space<hbm>>) target(%arg5 : memref<32x1024xf32, #tpu.memory_space<vmem>>) target_semaphore(%arg6 : memref<!tpu.dma_semaphore, #tpu.memory_space<semaphore_mem>>)
    %add3A_153 = arith.constant 96 : i32
    %add3A_154 = arith.addi %mul3A_2, %add3A_153 : i32
    %dma_wait3A_155 = arith.constant 0 : i32
    %dma_wait3A_156 = tpu.memref_slice %arg2[%add3A_154, %dma_wait3A_155] : memref<8192x1024xf32, #tpu.memory_space<hbm>> -> memref<32x1024xf32, #tpu.memory_space<hbm>>
    %dma_wait3A_157 = arith.constant 0 : i32
    %dma_wait3A_158 = tpu.memref_slice %arg2[%add3A_154, %dma_wait3A_157] : memref<8192x1024xf32, #tpu.memory_space<hbm>> -> memref<32x1024xf32, #tpu.memory_space<hbm>>
    tpu.wait_dma2 semaphore(%arg6 : memref<!tpu.dma_semaphore, #tpu.memory_space<semaphore_mem>>) src(%dma_wait3A_158 : memref<32x1024xf32, #tpu.memory_space<hbm>>) dst(%arg5 : memref<32x1024xf32, #tpu.memory_space<vmem>>)
    %add3A_159 = arith.constant 96 : i32
    %add3A_160 = arith.addi %mul3A_2, %add3A_159 : i32
    %add3A_161 = arith.constant 0 : i32
    %add3A_162 = arith.addi %add3A_161, %add3A_160 : i32
    %add3A_163 = arith.constant 8192 : i32
    %add3A_164 = arith.addi %add3A_163, %add3A_160 : i32
    %add3A_165 = arith.constant 16384 : i32
    %add3A_166 = arith.addi %add3A_165, %add3A_160 : i32
    %add3A_167 = arith.constant 24576 : i32
    %add3A_168 = arith.addi %add3A_167, %add3A_160 : i32
    %dma_start3A_169 = arith.constant 0 : i32
    %dma_start3A_170 = tpu.memref_slice %arg3[%add3A_162, %dma_start3A_169] : memref<32768x1024xf32, #tpu.memory_space<hbm>> -> memref<32x1024xf32, #tpu.memory_space<hbm>>
    %dma_start3A_171 = arith.constant 0 : i32
    %dma_start3A_172 = tpu.memref_slice %arg3[%add3A_162, %dma_start3A_171] : memref<32768x1024xf32, #tpu.memory_space<hbm>> -> memref<32x1024xf32, #tpu.memory_space<hbm>>
    tpu.enqueue_dma source(%arg5 : memref<32x1024xf32, #tpu.memory_space<vmem>>) target(%dma_start3A_172 : memref<32x1024xf32, #tpu.memory_space<hbm>>) target_semaphore(%arg7 : memref<!tpu.dma_semaphore, #tpu.memory_space<semaphore_mem>>)
    %dma_start3A_173 = arith.constant 0 : i32
    %dma_start3A_174 = tpu.memref_slice %arg3[%add3A_164, %dma_start3A_173] : memref<32768x1024xf32, #tpu.memory_space<hbm>> -> memref<32x1024xf32, #tpu.memory_space<hbm>>
    %dma_start3A_175 = arith.constant 0 : i32
    %dma_start3A_176 = tpu.memref_slice %arg3[%add3A_164, %dma_start3A_175] : memref<32768x1024xf32, #tpu.memory_space<hbm>> -> memref<32x1024xf32, #tpu.memory_space<hbm>>
    tpu.enqueue_dma source(%arg5 : memref<32x1024xf32, #tpu.memory_space<vmem>>) target(%dma_start3A_176 : memref<32x1024xf32, #tpu.memory_space<hbm>>) target_semaphore(%arg7 : memref<!tpu.dma_semaphore, #tpu.memory_space<semaphore_mem>>)
    %dma_start3A_177 = arith.constant 0 : i32
    %dma_start3A_178 = tpu.memref_slice %arg3[%add3A_166, %dma_start3A_177] : memref<32768x1024xf32, #tpu.memory_space<hbm>> -> memref<32x1024xf32, #tpu.memory_space<hbm>>
    %dma_start3A_179 = arith.constant 0 : i32
    %dma_start3A_180 = tpu.memref_slice %arg3[%add3A_166, %dma_start3A_179] : memref<32768x1024xf32, #tpu.memory_space<hbm>> -> memref<32x1024xf32, #tpu.memory_space<hbm>>
    tpu.enqueue_dma source(%arg5 : memref<32x1024xf32, #tpu.memory_space<vmem>>) target(%dma_start3A_180 : memref<32x1024xf32, #tpu.memory_space<hbm>>) target_semaphore(%arg7 : memref<!tpu.dma_semaphore, #tpu.memory_space<semaphore_mem>>)
    %dma_start3A_181 = arith.constant 0 : i32
    %dma_start3A_182 = tpu.memref_slice %arg3[%add3A_168, %dma_start3A_181] : memref<32768x1024xf32, #tpu.memory_space<hbm>> -> memref<32x1024xf32, #tpu.memory_space<hbm>>
    %dma_start3A_183 = arith.constant 0 : i32
    %dma_start3A_184 = tpu.memref_slice %arg3[%add3A_168, %dma_start3A_183] : memref<32768x1024xf32, #tpu.memory_space<hbm>> -> memref<32x1024xf32, #tpu.memory_space<hbm>>
    tpu.enqueue_dma source(%arg5 : memref<32x1024xf32, #tpu.memory_space<vmem>>) target(%dma_start3A_184 : memref<32x1024xf32, #tpu.memory_space<hbm>>) target_semaphore(%arg7 : memref<!tpu.dma_semaphore, #tpu.memory_space<semaphore_mem>>)
    %dma_wait3A_185 = arith.constant 0 : i32
    %dma_wait3A_186 = tpu.memref_slice %arg3[%add3A_108, %dma_wait3A_185] : memref<32768x1024xf32, #tpu.memory_space<hbm>> -> memref<32x1024xf32, #tpu.memory_space<hbm>>
    %dma_wait3A_187 = arith.constant 0 : i32
    %dma_wait3A_188 = tpu.memref_slice %arg3[%add3A_108, %dma_wait3A_187] : memref<32768x1024xf32, #tpu.memory_space<hbm>> -> memref<32x1024xf32, #tpu.memory_space<hbm>>
    tpu.wait_dma2 semaphore(%arg7 : memref<!tpu.dma_semaphore, #tpu.memory_space<semaphore_mem>>) src(%arg4 : memref<32x1024xf32, #tpu.memory_space<vmem>>) dst(%dma_wait3A_188 : memref<32x1024xf32, #tpu.memory_space<hbm>>)
    %dma_wait3A_189 = arith.constant 0 : i32
    %dma_wait3A_190 = tpu.memref_slice %arg3[%add3A_110, %dma_wait3A_189] : memref<32768x1024xf32, #tpu.memory_space<hbm>> -> memref<32x1024xf32, #tpu.memory_space<hbm>>
    %dma_wait3A_191 = arith.constant 0 : i32
    %dma_wait3A_192 = tpu.memref_slice %arg3[%add3A_110, %dma_wait3A_191] : memref<32768x1024xf32, #tpu.memory_space<hbm>> -> memref<32x1024xf32, #tpu.memory_space<hbm>>
    tpu.wait_dma2 semaphore(%arg7 : memref<!tpu.dma_semaphore, #tpu.memory_space<semaphore_mem>>) src(%arg4 : memref<32x1024xf32, #tpu.memory_space<vmem>>) dst(%dma_wait3A_192 : memref<32x1024xf32, #tpu.memory_space<hbm>>)
    %dma_wait3A_193 = arith.constant 0 : i32
    %dma_wait3A_194 = tpu.memref_slice %arg3[%add3A_112, %dma_wait3A_193] : memref<32768x1024xf32, #tpu.memory_space<hbm>> -> memref<32x1024xf32, #tpu.memory_space<hbm>>
    %dma_wait3A_195 = arith.constant 0 : i32
    %dma_wait3A_196 = tpu.memref_slice %arg3[%add3A_112, %dma_wait3A_195] : memref<32768x1024xf32, #tpu.memory_space<hbm>> -> memref<32x1024xf32, #tpu.memory_space<hbm>>
    tpu.wait_dma2 semaphore(%arg7 : memref<!tpu.dma_semaphore, #tpu.memory_space<semaphore_mem>>) src(%arg4 : memref<32x1024xf32, #tpu.memory_space<vmem>>) dst(%dma_wait3A_196 : memref<32x1024xf32, #tpu.memory_space<hbm>>)
    %dma_wait3A_197 = arith.constant 0 : i32
    %dma_wait3A_198 = tpu.memref_slice %arg3[%add3A_114, %dma_wait3A_197] : memref<32768x1024xf32, #tpu.memory_space<hbm>> -> memref<32x1024xf32, #tpu.memory_space<hbm>>
    %dma_wait3A_199 = arith.constant 0 : i32
    %dma_wait3A_200 = tpu.memref_slice %arg3[%add3A_114, %dma_wait3A_199] : memref<32768x1024xf32, #tpu.memory_space<hbm>> -> memref<32x1024xf32, #tpu.memory_space<hbm>>
    tpu.wait_dma2 semaphore(%arg7 : memref<!tpu.dma_semaphore, #tpu.memory_space<semaphore_mem>>) src(%arg4 : memref<32x1024xf32, #tpu.memory_space<vmem>>) dst(%dma_wait3A_200 : memref<32x1024xf32, #tpu.memory_space<hbm>>)
    %add3A_201 = arith.constant 128 : i32
    %add3A_202 = arith.addi %mul3A_2, %add3A_201 : i32
    %dma_start3A_203 = arith.constant 0 : i32
    %dma_start3A_204 = tpu.memref_slice %arg2[%add3A_202, %dma_start3A_203] : memref<8192x1024xf32, #tpu.memory_space<hbm>> -> memref<32x1024xf32, #tpu.memory_space<hbm>>
    %dma_start3A_205 = arith.constant 0 : i32
    %dma_start3A_206 = tpu.memref_slice %arg2[%add3A_202, %dma_start3A_205] : memref<8192x1024xf32, #tpu.memory_space<hbm>> -> memref<32x1024xf32, #tpu.memory_space<hbm>>
    tpu.enqueue_dma source(%dma_start3A_206 : memref<32x1024xf32, #tpu.memory_space<hbm>>) target(%arg4 : memref<32x1024xf32, #tpu.memory_space<vmem>>) target_semaphore(%arg6 : memref<!tpu.dma_semaphore, #tpu.memory_space<semaphore_mem>>)
    %add3A_207 = arith.constant 128 : i32
    %add3A_208 = arith.addi %mul3A_2, %add3A_207 : i32
    %dma_wait3A_209 = arith.constant 0 : i32
    %dma_wait3A_210 = tpu.memref_slice %arg2[%add3A_208, %dma_wait3A_209] : memref<8192x1024xf32, #tpu.memory_space<hbm>> -> memref<32x1024xf32, #tpu.memory_space<hbm>>
    %dma_wait3A_211 = arith.constant 0 : i32
    %dma_wait3A_212 = tpu.memref_slice %arg2[%add3A_208, %dma_wait3A_211] : memref<8192x1024xf32, #tpu.memory_space<hbm>> -> memref<32x1024xf32, #tpu.memory_space<hbm>>
    tpu.wait_dma2 semaphore(%arg6 : memref<!tpu.dma_semaphore, #tpu.memory_space<semaphore_mem>>) src(%dma_wait3A_212 : memref<32x1024xf32, #tpu.memory_space<hbm>>) dst(%arg4 : memref<32x1024xf32, #tpu.memory_space<vmem>>)
    %add3A_213 = arith.constant 128 : i32
    %add3A_214 = arith.addi %mul3A_2, %add3A_213 : i32
    %add3A_215 = arith.constant 0 : i32
    %add3A_216 = arith.addi %add3A_215, %add3A_214 : i32
    %add3A_217 = arith.constant 8192 : i32
    %add3A_218 = arith.addi %add3A_217, %add3A_214 : i32
    %add3A_219 = arith.constant 16384 : i32
    %add3A_220 = arith.addi %add3A_219, %add3A_214 : i32
    %add3A_221 = arith.constant 24576 : i32
    %add3A_222 = arith.addi %add3A_221, %add3A_214 : i32
    %dma_start3A_223 = arith.constant 0 : i32
    %dma_start3A_224 = tpu.memref_slice %arg3[%add3A_216, %dma_start3A_223] : memref<32768x1024xf32, #tpu.memory_space<hbm>> -> memref<32x1024xf32, #tpu.memory_space<hbm>>
    %dma_start3A_225 = arith.constant 0 : i32
    %dma_start3A_226 = tpu.memref_slice %arg3[%add3A_216, %dma_start3A_225] : memref<32768x1024xf32, #tpu.memory_space<hbm>> -> memref<32x1024xf32, #tpu.memory_space<hbm>>
    tpu.enqueue_dma source(%arg4 : memref<32x1024xf32, #tpu.memory_space<vmem>>) target(%dma_start3A_226 : memref<32x1024xf32, #tpu.memory_space<hbm>>) target_semaphore(%arg7 : memref<!tpu.dma_semaphore, #tpu.memory_space<semaphore_mem>>)
    %dma_start3A_227 = arith.constant 0 : i32
    %dma_start3A_228 = tpu.memref_slice %arg3[%add3A_218, %dma_start3A_227] : memref<32768x1024xf32, #tpu.memory_space<hbm>> -> memref<32x1024xf32, #tpu.memory_space<hbm>>
    %dma_start3A_229 = arith.constant 0 : i32
    %dma_start3A_230 = tpu.memref_slice %arg3[%add3A_218, %dma_start3A_229] : memref<32768x1024xf32, #tpu.memory_space<hbm>> -> memref<32x1024xf32, #tpu.memory_space<hbm>>
    tpu.enqueue_dma source(%arg4 : memref<32x1024xf32, #tpu.memory_space<vmem>>) target(%dma_start3A_230 : memref<32x1024xf32, #tpu.memory_space<hbm>>) target_semaphore(%arg7 : memref<!tpu.dma_semaphore, #tpu.memory_space<semaphore_mem>>)
    %dma_start3A_231 = arith.constant 0 : i32
    %dma_start3A_232 = tpu.memref_slice %arg3[%add3A_220, %dma_start3A_231] : memref<32768x1024xf32, #tpu.memory_space<hbm>> -> memref<32x1024xf32, #tpu.memory_space<hbm>>
    %dma_start3A_233 = arith.constant 0 : i32
    %dma_start3A_234 = tpu.memref_slice %arg3[%add3A_220, %dma_start3A_233] : memref<32768x1024xf32, #tpu.memory_space<hbm>> -> memref<32x1024xf32, #tpu.memory_space<hbm>>
    tpu.enqueue_dma source(%arg4 : memref<32x1024xf32, #tpu.memory_space<vmem>>) target(%dma_start3A_234 : memref<32x1024xf32, #tpu.memory_space<hbm>>) target_semaphore(%arg7 : memref<!tpu.dma_semaphore, #tpu.memory_space<semaphore_mem>>)
    %dma_start3A_235 = arith.constant 0 : i32
    %dma_start3A_236 = tpu.memref_slice %arg3[%add3A_222, %dma_start3A_235] : memref<32768x1024xf32, #tpu.memory_space<hbm>> -> memref<32x1024xf32, #tpu.memory_space<hbm>>
    %dma_start3A_237 = arith.constant 0 : i32
    %dma_start3A_238 = tpu.memref_slice %arg3[%add3A_222, %dma_start3A_237] : memref<32768x1024xf32, #tpu.memory_space<hbm>> -> memref<32x1024xf32, #tpu.memory_space<hbm>>
    tpu.enqueue_dma source(%arg4 : memref<32x1024xf32, #tpu.memory_space<vmem>>) target(%dma_start3A_238 : memref<32x1024xf32, #tpu.memory_space<hbm>>) target_semaphore(%arg7 : memref<!tpu.dma_semaphore, #tpu.memory_space<semaphore_mem>>)
    %dma_wait3A_239 = arith.constant 0 : i32
    %dma_wait3A_240 = tpu.memref_slice %arg3[%add3A_162, %dma_wait3A_239] : memref<32768x1024xf32, #tpu.memory_space<hbm>> -> memref<32x1024xf32, #tpu.memory_space<hbm>>
    %dma_wait3A_241 = arith.constant 0 : i32
    %dma_wait3A_242 = tpu.memref_slice %arg3[%add3A_162, %dma_wait3A_241] : memref<32768x1024xf32, #tpu.memory_space<hbm>> -> memref<32x1024xf32, #tpu.memory_space<hbm>>
    tpu.wait_dma2 semaphore(%arg7 : memref<!tpu.dma_semaphore, #tpu.memory_space<semaphore_mem>>) src(%arg5 : memref<32x1024xf32, #tpu.memory_space<vmem>>) dst(%dma_wait3A_242 : memref<32x1024xf32, #tpu.memory_space<hbm>>)
    %dma_wait3A_243 = arith.constant 0 : i32
    %dma_wait3A_244 = tpu.memref_slice %arg3[%add3A_164, %dma_wait3A_243] : memref<32768x1024xf32, #tpu.memory_space<hbm>> -> memref<32x1024xf32, #tpu.memory_space<hbm>>
    %dma_wait3A_245 = arith.constant 0 : i32
    %dma_wait3A_246 = tpu.memref_slice %arg3[%add3A_164, %dma_wait3A_245] : memref<32768x1024xf32, #tpu.memory_space<hbm>> -> memref<32x1024xf32, #tpu.memory_space<hbm>>
    tpu.wait_dma2 semaphore(%arg7 : memref<!tpu.dma_semaphore, #tpu.memory_space<semaphore_mem>>) src(%arg5 : memref<32x1024xf32, #tpu.memory_space<vmem>>) dst(%dma_wait3A_246 : memref<32x1024xf32, #tpu.memory_space<hbm>>)
    %dma_wait3A_247 = arith.constant 0 : i32
    %dma_wait3A_248 = tpu.memref_slice %arg3[%add3A_166, %dma_wait3A_247] : memref<32768x1024xf32, #tpu.memory_space<hbm>> -> memref<32x1024xf32, #tpu.memory_space<hbm>>
    %dma_wait3A_249 = arith.constant 0 : i32
    %dma_wait3A_250 = tpu.memref_slice %arg3[%add3A_166, %dma_wait3A_249] : memref<32768x1024xf32, #tpu.memory_space<hbm>> -> memref<32x1024xf32, #tpu.memory_space<hbm>>
    tpu.wait_dma2 semaphore(%arg7 : memref<!tpu.dma_semaphore, #tpu.memory_space<semaphore_mem>>) src(%arg5 : memref<32x1024xf32, #tpu.memory_space<vmem>>) dst(%dma_wait3A_250 : memref<32x1024xf32, #tpu.memory_space<hbm>>)
    %dma_wait3A_251 = arith.constant 0 : i32
    %dma_wait3A_252 = tpu.memref_slice %arg3[%add3A_168, %dma_wait3A_251] : memref<32768x1024xf32, #tpu.memory_space<hbm>> -> memref<32x1024xf32, #tpu.memory_space<hbm>>
    %dma_wait3A_253 = arith.constant 0 : i32
    %dma_wait3A_254 = tpu.memref_slice %arg3[%add3A_168, %dma_wait3A_253] : memref<32768x1024xf32, #tpu.memory_space<hbm>> -> memref<32x1024xf32, #tpu.memory_space<hbm>>
    tpu.wait_dma2 semaphore(%arg7 : memref<!tpu.dma_semaphore, #tpu.memory_space<semaphore_mem>>) src(%arg5 : memref<32x1024xf32, #tpu.memory_space<vmem>>) dst(%dma_wait3A_254 : memref<32x1024xf32, #tpu.memory_space<hbm>>)
    %add3A_255 = arith.constant 160 : i32
    %add3A_256 = arith.addi %mul3A_2, %add3A_255 : i32
    %dma_start3A_257 = arith.constant 0 : i32
    %dma_start3A_258 = tpu.memref_slice %arg2[%add3A_256, %dma_start3A_257] : memref<8192x1024xf32, #tpu.memory_space<hbm>> -> memref<32x1024xf32, #tpu.memory_space<hbm>>
    %dma_start3A_259 = arith.constant 0 : i32
    %dma_start3A_260 = tpu.memref_slice %arg2[%add3A_256, %dma_start3A_259] : memref<8192x1024xf32, #tpu.memory_space<hbm>> -> memref<32x1024xf32, #tpu.memory_space<hbm>>
    tpu.enqueue_dma source(%dma_start3A_260 : memref<32x1024xf32, #tpu.memory_space<hbm>>) target(%arg5 : memref<32x1024xf32, #tpu.memory_space<vmem>>) target_semaphore(%arg6 : memref<!tpu.dma_semaphore, #tpu.memory_space<semaphore_mem>>)
    %add3A_261 = arith.constant 160 : i32
    %add3A_262 = arith.addi %mul3A_2, %add3A_261 : i32
    %dma_wait3A_263 = arith.constant 0 : i32
    %dma_wait3A_264 = tpu.memref_slice %arg2[%add3A_262, %dma_wait3A_263] : memref<8192x1024xf32, #tpu.memory_space<hbm>> -> memref<32x1024xf32, #tpu.memory_space<hbm>>
    %dma_wait3A_265 = arith.constant 0 : i32
    %dma_wait3A_266 = tpu.memref_slice %arg2[%add3A_262, %dma_wait3A_265] : memref<8192x1024xf32, #tpu.memory_space<hbm>> -> memref<32x1024xf32, #tpu.memory_space<hbm>>
    tpu.wait_dma2 semaphore(%arg6 : memref<!tpu.dma_semaphore, #tpu.memory_space<semaphore_mem>>) src(%dma_wait3A_266 : memref<32x1024xf32, #tpu.memory_space<hbm>>) dst(%arg5 : memref<32x1024xf32, #tpu.memory_space<vmem>>)
    %add3A_267 = arith.constant 160 : i32
    %add3A_268 = arith.addi %mul3A_2, %add3A_267 : i32
    %add3A_269 = arith.constant 0 : i32
    %add3A_270 = arith.addi %add3A_269, %add3A_268 : i32
    %add3A_271 = arith.constant 8192 : i32
    %add3A_272 = arith.addi %add3A_271, %add3A_268 : i32
    %add3A_273 = arith.constant 16384 : i32
    %add3A_274 = arith.addi %add3A_273, %add3A_268 : i32
    %add3A_275 = arith.constant 24576 : i32
    %add3A_276 = arith.addi %add3A_275, %add3A_268 : i32
    %dma_start3A_277 = arith.constant 0 : i32
    %dma_start3A_278 = tpu.memref_slice %arg3[%add3A_270, %dma_start3A_277] : memref<32768x1024xf32, #tpu.memory_space<hbm>> -> memref<32x1024xf32, #tpu.memory_space<hbm>>
    %dma_start3A_279 = arith.constant 0 : i32
    %dma_start3A_280 = tpu.memref_slice %arg3[%add3A_270, %dma_start3A_279] : memref<32768x1024xf32, #tpu.memory_space<hbm>> -> memref<32x1024xf32, #tpu.memory_space<hbm>>
    tpu.enqueue_dma source(%arg5 : memref<32x1024xf32, #tpu.memory_space<vmem>>) target(%dma_start3A_280 : memref<32x1024xf32, #tpu.memory_space<hbm>>) target_semaphore(%arg7 : memref<!tpu.dma_semaphore, #tpu.memory_space<semaphore_mem>>)
    %dma_start3A_281 = arith.constant 0 : i32
    %dma_start3A_282 = tpu.memref_slice %arg3[%add3A_272, %dma_start3A_281] : memref<32768x1024xf32, #tpu.memory_space<hbm>> -> memref<32x1024xf32, #tpu.memory_space<hbm>>
    %dma_start3A_283 = arith.constant 0 : i32
    %dma_start3A_284 = tpu.memref_slice %arg3[%add3A_272, %dma_start3A_283] : memref<32768x1024xf32, #tpu.memory_space<hbm>> -> memref<32x1024xf32, #tpu.memory_space<hbm>>
    tpu.enqueue_dma source(%arg5 : memref<32x1024xf32, #tpu.memory_space<vmem>>) target(%dma_start3A_284 : memref<32x1024xf32, #tpu.memory_space<hbm>>) target_semaphore(%arg7 : memref<!tpu.dma_semaphore, #tpu.memory_space<semaphore_mem>>)
    %dma_start3A_285 = arith.constant 0 : i32
    %dma_start3A_286 = tpu.memref_slice %arg3[%add3A_274, %dma_start3A_285] : memref<32768x1024xf32, #tpu.memory_space<hbm>> -> memref<32x1024xf32, #tpu.memory_space<hbm>>
    %dma_start3A_287 = arith.constant 0 : i32
    %dma_start3A_288 = tpu.memref_slice %arg3[%add3A_274, %dma_start3A_287] : memref<32768x1024xf32, #tpu.memory_space<hbm>> -> memref<32x1024xf32, #tpu.memory_space<hbm>>
    tpu.enqueue_dma source(%arg5 : memref<32x1024xf32, #tpu.memory_space<vmem>>) target(%dma_start3A_288 : memref<32x1024xf32, #tpu.memory_space<hbm>>) target_semaphore(%arg7 : memref<!tpu.dma_semaphore, #tpu.memory_space<semaphore_mem>>)
    %dma_start3A_289 = arith.constant 0 : i32
    %dma_start3A_290 = tpu.memref_slice %arg3[%add3A_276, %dma_start3A_289] : memref<32768x1024xf32, #tpu.memory_space<hbm>> -> memref<32x1024xf32, #tpu.memory_space<hbm>>
    %dma_start3A_291 = arith.constant 0 : i32
    %dma_start3A_292 = tpu.memref_slice %arg3[%add3A_276, %dma_start3A_291] : memref<32768x1024xf32, #tpu.memory_space<hbm>> -> memref<32x1024xf32, #tpu.memory_space<hbm>>
    tpu.enqueue_dma source(%arg5 : memref<32x1024xf32, #tpu.memory_space<vmem>>) target(%dma_start3A_292 : memref<32x1024xf32, #tpu.memory_space<hbm>>) target_semaphore(%arg7 : memref<!tpu.dma_semaphore, #tpu.memory_space<semaphore_mem>>)
    %dma_wait3A_293 = arith.constant 0 : i32
    %dma_wait3A_294 = tpu.memref_slice %arg3[%add3A_216, %dma_wait3A_293] : memref<32768x1024xf32, #tpu.memory_space<hbm>> -> memref<32x1024xf32, #tpu.memory_space<hbm>>
    %dma_wait3A_295 = arith.constant 0 : i32
    %dma_wait3A_296 = tpu.memref_slice %arg3[%add3A_216, %dma_wait3A_295] : memref<32768x1024xf32, #tpu.memory_space<hbm>> -> memref<32x1024xf32, #tpu.memory_space<hbm>>
    tpu.wait_dma2 semaphore(%arg7 : memref<!tpu.dma_semaphore, #tpu.memory_space<semaphore_mem>>) src(%arg4 : memref<32x1024xf32, #tpu.memory_space<vmem>>) dst(%dma_wait3A_296 : memref<32x1024xf32, #tpu.memory_space<hbm>>)
    %dma_wait3A_297 = arith.constant 0 : i32
    %dma_wait3A_298 = tpu.memref_slice %arg3[%add3A_218, %dma_wait3A_297] : memref<32768x1024xf32, #tpu.memory_space<hbm>> -> memref<32x1024xf32, #tpu.memory_space<hbm>>
    %dma_wait3A_299 = arith.constant 0 : i32
    %dma_wait3A_300 = tpu.memref_slice %arg3[%add3A_218, %dma_wait3A_299] : memref<32768x1024xf32, #tpu.memory_space<hbm>> -> memref<32x1024xf32, #tpu.memory_space<hbm>>
    tpu.wait_dma2 semaphore(%arg7 : memref<!tpu.dma_semaphore, #tpu.memory_space<semaphore_mem>>) src(%arg4 : memref<32x1024xf32, #tpu.memory_space<vmem>>) dst(%dma_wait3A_300 : memref<32x1024xf32, #tpu.memory_space<hbm>>)
    %dma_wait3A_301 = arith.constant 0 : i32
    %dma_wait3A_302 = tpu.memref_slice %arg3[%add3A_220, %dma_wait3A_301] : memref<32768x1024xf32, #tpu.memory_space<hbm>> -> memref<32x1024xf32, #tpu.memory_space<hbm>>
    %dma_wait3A_303 = arith.constant 0 : i32
    %dma_wait3A_304 = tpu.memref_slice %arg3[%add3A_220, %dma_wait3A_303] : memref<32768x1024xf32, #tpu.memory_space<hbm>> -> memref<32x1024xf32, #tpu.memory_space<hbm>>
    tpu.wait_dma2 semaphore(%arg7 : memref<!tpu.dma_semaphore, #tpu.memory_space<semaphore_mem>>) src(%arg4 : memref<32x1024xf32, #tpu.memory_space<vmem>>) dst(%dma_wait3A_304 : memref<32x1024xf32, #tpu.memory_space<hbm>>)
    %dma_wait3A_305 = arith.constant 0 : i32
    %dma_wait3A_306 = tpu.memref_slice %arg3[%add3A_222, %dma_wait3A_305] : memref<32768x1024xf32, #tpu.memory_space<hbm>> -> memref<32x1024xf32, #tpu.memory_space<hbm>>
    %dma_wait3A_307 = arith.constant 0 : i32
    %dma_wait3A_308 = tpu.memref_slice %arg3[%add3A_222, %dma_wait3A_307] : memref<32768x1024xf32, #tpu.memory_space<hbm>> -> memref<32x1024xf32, #tpu.memory_space<hbm>>
    tpu.wait_dma2 semaphore(%arg7 : memref<!tpu.dma_semaphore, #tpu.memory_space<semaphore_mem>>) src(%arg4 : memref<32x1024xf32, #tpu.memory_space<vmem>>) dst(%dma_wait3A_308 : memref<32x1024xf32, #tpu.memory_space<hbm>>)
    %add3A_309 = arith.constant 192 : i32
    %add3A_310 = arith.addi %mul3A_2, %add3A_309 : i32
    %dma_start3A_311 = arith.constant 0 : i32
    %dma_start3A_312 = tpu.memref_slice %arg2[%add3A_310, %dma_start3A_311] : memref<8192x1024xf32, #tpu.memory_space<hbm>> -> memref<32x1024xf32, #tpu.memory_space<hbm>>
    %dma_start3A_313 = arith.constant 0 : i32
    %dma_start3A_314 = tpu.memref_slice %arg2[%add3A_310, %dma_start3A_313] : memref<8192x1024xf32, #tpu.memory_space<hbm>> -> memref<32x1024xf32, #tpu.memory_space<hbm>>
    tpu.enqueue_dma source(%dma_start3A_314 : memref<32x1024xf32, #tpu.memory_space<hbm>>) target(%arg4 : memref<32x1024xf32, #tpu.memory_space<vmem>>) target_semaphore(%arg6 : memref<!tpu.dma_semaphore, #tpu.memory_space<semaphore_mem>>)
    %add3A_315 = arith.constant 192 : i32
    %add3A_316 = arith.addi %mul3A_2, %add3A_315 : i32
    %dma_wait3A_317 = arith.constant 0 : i32
    %dma_wait3A_318 = tpu.memref_slice %arg2[%add3A_316, %dma_wait3A_317] : memref<8192x1024xf32, #tpu.memory_space<hbm>> -> memref<32x1024xf32, #tpu.memory_space<hbm>>
    %dma_wait3A_319 = arith.constant 0 : i32
    %dma_wait3A_320 = tpu.memref_slice %arg2[%add3A_316, %dma_wait3A_319] : memref<8192x1024xf32, #tpu.memory_space<hbm>> -> memref<32x1024xf32, #tpu.memory_space<hbm>>
    tpu.wait_dma2 semaphore(%arg6 : memref<!tpu.dma_semaphore, #tpu.memory_space<semaphore_mem>>) src(%dma_wait3A_320 : memref<32x1024xf32, #tpu.memory_space<hbm>>) dst(%arg4 : memref<32x1024xf32, #tpu.memory_space<vmem>>)
    %add3A_321 = arith.constant 192 : i32
    %add3A_322 = arith.addi %mul3A_2, %add3A_321 : i32
    %add3A_323 = arith.constant 0 : i32
    %add3A_324 = arith.addi %add3A_323, %add3A_322 : i32
    %add3A_325 = arith.constant 8192 : i32
    %add3A_326 = arith.addi %add3A_325, %add3A_322 : i32
    %add3A_327 = arith.constant 16384 : i32
    %add3A_328 = arith.addi %add3A_327, %add3A_322 : i32
    %add3A_329 = arith.constant 24576 : i32
    %add3A_330 = arith.addi %add3A_329, %add3A_322 : i32
    %dma_start3A_331 = arith.constant 0 : i32
    %dma_start3A_332 = tpu.memref_slice %arg3[%add3A_324, %dma_start3A_331] : memref<32768x1024xf32, #tpu.memory_space<hbm>> -> memref<32x1024xf32, #tpu.memory_space<hbm>>
    %dma_start3A_333 = arith.constant 0 : i32
    %dma_start3A_334 = tpu.memref_slice %arg3[%add3A_324, %dma_start3A_333] : memref<32768x1024xf32, #tpu.memory_space<hbm>> -> memref<32x1024xf32, #tpu.memory_space<hbm>>
    tpu.enqueue_dma source(%arg4 : memref<32x1024xf32, #tpu.memory_space<vmem>>) target(%dma_start3A_334 : memref<32x1024xf32, #tpu.memory_space<hbm>>) target_semaphore(%arg7 : memref<!tpu.dma_semaphore, #tpu.memory_space<semaphore_mem>>)
    %dma_start3A_335 = arith.constant 0 : i32
    %dma_start3A_336 = tpu.memref_slice %arg3[%add3A_326, %dma_start3A_335] : memref<32768x1024xf32, #tpu.memory_space<hbm>> -> memref<32x1024xf32, #tpu.memory_space<hbm>>
    %dma_start3A_337 = arith.constant 0 : i32
    %dma_start3A_338 = tpu.memref_slice %arg3[%add3A_326, %dma_start3A_337] : memref<32768x1024xf32, #tpu.memory_space<hbm>> -> memref<32x1024xf32, #tpu.memory_space<hbm>>
    tpu.enqueue_dma source(%arg4 : memref<32x1024xf32, #tpu.memory_space<vmem>>) target(%dma_start3A_338 : memref<32x1024xf32, #tpu.memory_space<hbm>>) target_semaphore(%arg7 : memref<!tpu.dma_semaphore, #tpu.memory_space<semaphore_mem>>)
    %dma_start3A_339 = arith.constant 0 : i32
    %dma_start3A_340 = tpu.memref_slice %arg3[%add3A_328, %dma_start3A_339] : memref<32768x1024xf32, #tpu.memory_space<hbm>> -> memref<32x1024xf32, #tpu.memory_space<hbm>>
    %dma_start3A_341 = arith.constant 0 : i32
    %dma_start3A_342 = tpu.memref_slice %arg3[%add3A_328, %dma_start3A_341] : memref<32768x1024xf32, #tpu.memory_space<hbm>> -> memref<32x1024xf32, #tpu.memory_space<hbm>>
    tpu.enqueue_dma source(%arg4 : memref<32x1024xf32, #tpu.memory_space<vmem>>) target(%dma_start3A_342 : memref<32x1024xf32, #tpu.memory_space<hbm>>) target_semaphore(%arg7 : memref<!tpu.dma_semaphore, #tpu.memory_space<semaphore_mem>>)
    %dma_start3A_343 = arith.constant 0 : i32
    %dma_start3A_344 = tpu.memref_slice %arg3[%add3A_330, %dma_start3A_343] : memref<32768x1024xf32, #tpu.memory_space<hbm>> -> memref<32x1024xf32, #tpu.memory_space<hbm>>
    %dma_start3A_345 = arith.constant 0 : i32
    %dma_start3A_346 = tpu.memref_slice %arg3[%add3A_330, %dma_start3A_345] : memref<32768x1024xf32, #tpu.memory_space<hbm>> -> memref<32x1024xf32, #tpu.memory_space<hbm>>
    tpu.enqueue_dma source(%arg4 : memref<32x1024xf32, #tpu.memory_space<vmem>>) target(%dma_start3A_346 : memref<32x1024xf32, #tpu.memory_space<hbm>>) target_semaphore(%arg7 : memref<!tpu.dma_semaphore, #tpu.memory_space<semaphore_mem>>)
    %dma_wait3A_347 = arith.constant 0 : i32
    %dma_wait3A_348 = tpu.memref_slice %arg3[%add3A_270, %dma_wait3A_347] : memref<32768x1024xf32, #tpu.memory_space<hbm>> -> memref<32x1024xf32, #tpu.memory_space<hbm>>
    %dma_wait3A_349 = arith.constant 0 : i32
    %dma_wait3A_350 = tpu.memref_slice %arg3[%add3A_270, %dma_wait3A_349] : memref<32768x1024xf32, #tpu.memory_space<hbm>> -> memref<32x1024xf32, #tpu.memory_space<hbm>>
    tpu.wait_dma2 semaphore(%arg7 : memref<!tpu.dma_semaphore, #tpu.memory_space<semaphore_mem>>) src(%arg5 : memref<32x1024xf32, #tpu.memory_space<vmem>>) dst(%dma_wait3A_350 : memref<32x1024xf32, #tpu.memory_space<hbm>>)
    %dma_wait3A_351 = arith.constant 0 : i32
    %dma_wait3A_352 = tpu.memref_slice %arg3[%add3A_272, %dma_wait3A_351] : memref<32768x1024xf32, #tpu.memory_space<hbm>> -> memref<32x1024xf32, #tpu.memory_space<hbm>>
    %dma_wait3A_353 = arith.constant 0 : i32
    %dma_wait3A_354 = tpu.memref_slice %arg3[%add3A_272, %dma_wait3A_353] : memref<32768x1024xf32, #tpu.memory_space<hbm>> -> memref<32x1024xf32, #tpu.memory_space<hbm>>
    tpu.wait_dma2 semaphore(%arg7 : memref<!tpu.dma_semaphore, #tpu.memory_space<semaphore_mem>>) src(%arg5 : memref<32x1024xf32, #tpu.memory_space<vmem>>) dst(%dma_wait3A_354 : memref<32x1024xf32, #tpu.memory_space<hbm>>)
    %dma_wait3A_355 = arith.constant 0 : i32
    %dma_wait3A_356 = tpu.memref_slice %arg3[%add3A_274, %dma_wait3A_355] : memref<32768x1024xf32, #tpu.memory_space<hbm>> -> memref<32x1024xf32, #tpu.memory_space<hbm>>
    %dma_wait3A_357 = arith.constant 0 : i32
    %dma_wait3A_358 = tpu.memref_slice %arg3[%add3A_274, %dma_wait3A_357] : memref<32768x1024xf32, #tpu.memory_space<hbm>> -> memref<32x1024xf32, #tpu.memory_space<hbm>>
    tpu.wait_dma2 semaphore(%arg7 : memref<!tpu.dma_semaphore, #tpu.memory_space<semaphore_mem>>) src(%arg5 : memref<32x1024xf32, #tpu.memory_space<vmem>>) dst(%dma_wait3A_358 : memref<32x1024xf32, #tpu.memory_space<hbm>>)
    %dma_wait3A_359 = arith.constant 0 : i32
    %dma_wait3A_360 = tpu.memref_slice %arg3[%add3A_276, %dma_wait3A_359] : memref<32768x1024xf32, #tpu.memory_space<hbm>> -> memref<32x1024xf32, #tpu.memory_space<hbm>>
    %dma_wait3A_361 = arith.constant 0 : i32
    %dma_wait3A_362 = tpu.memref_slice %arg3[%add3A_276, %dma_wait3A_361] : memref<32768x1024xf32, #tpu.memory_space<hbm>> -> memref<32x1024xf32, #tpu.memory_space<hbm>>
    tpu.wait_dma2 semaphore(%arg7 : memref<!tpu.dma_semaphore, #tpu.memory_space<semaphore_mem>>) src(%arg5 : memref<32x1024xf32, #tpu.memory_space<vmem>>) dst(%dma_wait3A_362 : memref<32x1024xf32, #tpu.memory_space<hbm>>)
    %add3A_363 = arith.constant 224 : i32
    %add3A_364 = arith.addi %mul3A_2, %add3A_363 : i32
    %dma_start3A_365 = arith.constant 0 : i32
    %dma_start3A_366 = tpu.memref_slice %arg2[%add3A_364, %dma_start3A_365] : memref<8192x1024xf32, #tpu.memory_space<hbm>> -> memref<32x1024xf32, #tpu.memory_space<hbm>>
    %dma_start3A_367 = arith.constant 0 : i32
    %dma_start3A_368 = tpu.memref_slice %arg2[%add3A_364, %dma_start3A_367] : memref<8192x1024xf32, #tpu.memory_space<hbm>> -> memref<32x1024xf32, #tpu.memory_space<hbm>>
    tpu.enqueue_dma source(%dma_start3A_368 : memref<32x1024xf32, #tpu.memory_space<hbm>>) target(%arg5 : memref<32x1024xf32, #tpu.memory_space<vmem>>) target_semaphore(%arg6 : memref<!tpu.dma_semaphore, #tpu.memory_space<semaphore_mem>>)
    %add3A_369 = arith.constant 224 : i32
    %add3A_370 = arith.addi %mul3A_2, %add3A_369 : i32
    %dma_wait3A_371 = arith.constant 0 : i32
    %dma_wait3A_372 = tpu.memref_slice %arg2[%add3A_370, %dma_wait3A_371] : memref<8192x1024xf32, #tpu.memory_space<hbm>> -> memref<32x1024xf32, #tpu.memory_space<hbm>>
    %dma_wait3A_373 = arith.constant 0 : i32
    %dma_wait3A_374 = tpu.memref_slice %arg2[%add3A_370, %dma_wait3A_373] : memref<8192x1024xf32, #tpu.memory_space<hbm>> -> memref<32x1024xf32, #tpu.memory_space<hbm>>
    tpu.wait_dma2 semaphore(%arg6 : memref<!tpu.dma_semaphore, #tpu.memory_space<semaphore_mem>>) src(%dma_wait3A_374 : memref<32x1024xf32, #tpu.memory_space<hbm>>) dst(%arg5 : memref<32x1024xf32, #tpu.memory_space<vmem>>)
    %add3A_375 = arith.constant 224 : i32
    %add3A_376 = arith.addi %mul3A_2, %add3A_375 : i32
    %add3A_377 = arith.constant 0 : i32
    %add3A_378 = arith.addi %add3A_377, %add3A_376 : i32
    %add3A_379 = arith.constant 8192 : i32
    %add3A_380 = arith.addi %add3A_379, %add3A_376 : i32
    %add3A_381 = arith.constant 16384 : i32
    %add3A_382 = arith.addi %add3A_381, %add3A_376 : i32
    %add3A_383 = arith.constant 24576 : i32
    %add3A_384 = arith.addi %add3A_383, %add3A_376 : i32
    %dma_start3A_385 = arith.constant 0 : i32
    %dma_start3A_386 = tpu.memref_slice %arg3[%add3A_378, %dma_start3A_385] : memref<32768x1024xf32, #tpu.memory_space<hbm>> -> memref<32x1024xf32, #tpu.memory_space<hbm>>
    %dma_start3A_387 = arith.constant 0 : i32
    %dma_start3A_388 = tpu.memref_slice %arg3[%add3A_378, %dma_start3A_387] : memref<32768x1024xf32, #tpu.memory_space<hbm>> -> memref<32x1024xf32, #tpu.memory_space<hbm>>
    tpu.enqueue_dma source(%arg5 : memref<32x1024xf32, #tpu.memory_space<vmem>>) target(%dma_start3A_388 : memref<32x1024xf32, #tpu.memory_space<hbm>>) target_semaphore(%arg7 : memref<!tpu.dma_semaphore, #tpu.memory_space<semaphore_mem>>)
    %dma_start3A_389 = arith.constant 0 : i32
    %dma_start3A_390 = tpu.memref_slice %arg3[%add3A_380, %dma_start3A_389] : memref<32768x1024xf32, #tpu.memory_space<hbm>> -> memref<32x1024xf32, #tpu.memory_space<hbm>>
    %dma_start3A_391 = arith.constant 0 : i32
    %dma_start3A_392 = tpu.memref_slice %arg3[%add3A_380, %dma_start3A_391] : memref<32768x1024xf32, #tpu.memory_space<hbm>> -> memref<32x1024xf32, #tpu.memory_space<hbm>>
    tpu.enqueue_dma source(%arg5 : memref<32x1024xf32, #tpu.memory_space<vmem>>) target(%dma_start3A_392 : memref<32x1024xf32, #tpu.memory_space<hbm>>) target_semaphore(%arg7 : memref<!tpu.dma_semaphore, #tpu.memory_space<semaphore_mem>>)
    %dma_start3A_393 = arith.constant 0 : i32
    %dma_start3A_394 = tpu.memref_slice %arg3[%add3A_382, %dma_start3A_393] : memref<32768x1024xf32, #tpu.memory_space<hbm>> -> memref<32x1024xf32, #tpu.memory_space<hbm>>
    %dma_start3A_395 = arith.constant 0 : i32
    %dma_start3A_396 = tpu.memref_slice %arg3[%add3A_382, %dma_start3A_395] : memref<32768x1024xf32, #tpu.memory_space<hbm>> -> memref<32x1024xf32, #tpu.memory_space<hbm>>
    tpu.enqueue_dma source(%arg5 : memref<32x1024xf32, #tpu.memory_space<vmem>>) target(%dma_start3A_396 : memref<32x1024xf32, #tpu.memory_space<hbm>>) target_semaphore(%arg7 : memref<!tpu.dma_semaphore, #tpu.memory_space<semaphore_mem>>)
    %dma_start3A_397 = arith.constant 0 : i32
    %dma_start3A_398 = tpu.memref_slice %arg3[%add3A_384, %dma_start3A_397] : memref<32768x1024xf32, #tpu.memory_space<hbm>> -> memref<32x1024xf32, #tpu.memory_space<hbm>>
    %dma_start3A_399 = arith.constant 0 : i32
    %dma_start3A_400 = tpu.memref_slice %arg3[%add3A_384, %dma_start3A_399] : memref<32768x1024xf32, #tpu.memory_space<hbm>> -> memref<32x1024xf32, #tpu.memory_space<hbm>>
    tpu.enqueue_dma source(%arg5 : memref<32x1024xf32, #tpu.memory_space<vmem>>) target(%dma_start3A_400 : memref<32x1024xf32, #tpu.memory_space<hbm>>) target_semaphore(%arg7 : memref<!tpu.dma_semaphore, #tpu.memory_space<semaphore_mem>>)
    %dma_wait3A_401 = arith.constant 0 : i32
    %dma_wait3A_402 = tpu.memref_slice %arg3[%add3A_324, %dma_wait3A_401] : memref<32768x1024xf32, #tpu.memory_space<hbm>> -> memref<32x1024xf32, #tpu.memory_space<hbm>>
    %dma_wait3A_403 = arith.constant 0 : i32
    %dma_wait3A_404 = tpu.memref_slice %arg3[%add3A_324, %dma_wait3A_403] : memref<32768x1024xf32, #tpu.memory_space<hbm>> -> memref<32x1024xf32, #tpu.memory_space<hbm>>
    tpu.wait_dma2 semaphore(%arg7 : memref<!tpu.dma_semaphore, #tpu.memory_space<semaphore_mem>>) src(%arg4 : memref<32x1024xf32, #tpu.memory_space<vmem>>) dst(%dma_wait3A_404 : memref<32x1024xf32, #tpu.memory_space<hbm>>)
    %dma_wait3A_405 = arith.constant 0 : i32
    %dma_wait3A_406 = tpu.memref_slice %arg3[%add3A_326, %dma_wait3A_405] : memref<32768x1024xf32, #tpu.memory_space<hbm>> -> memref<32x1024xf32, #tpu.memory_space<hbm>>
    %dma_wait3A_407 = arith.constant 0 : i32
    %dma_wait3A_408 = tpu.memref_slice %arg3[%add3A_326, %dma_wait3A_407] : memref<32768x1024xf32, #tpu.memory_space<hbm>> -> memref<32x1024xf32, #tpu.memory_space<hbm>>
    tpu.wait_dma2 semaphore(%arg7 : memref<!tpu.dma_semaphore, #tpu.memory_space<semaphore_mem>>) src(%arg4 : memref<32x1024xf32, #tpu.memory_space<vmem>>) dst(%dma_wait3A_408 : memref<32x1024xf32, #tpu.memory_space<hbm>>)
    %dma_wait3A_409 = arith.constant 0 : i32
    %dma_wait3A_410 = tpu.memref_slice %arg3[%add3A_328, %dma_wait3A_409] : memref<32768x1024xf32, #tpu.memory_space<hbm>> -> memref<32x1024xf32, #tpu.memory_space<hbm>>
    %dma_wait3A_411 = arith.constant 0 : i32
    %dma_wait3A_412 = tpu.memref_slice %arg3[%add3A_328, %dma_wait3A_411] : memref<32768x1024xf32, #tpu.memory_space<hbm>> -> memref<32x1024xf32, #tpu.memory_space<hbm>>
    tpu.wait_dma2 semaphore(%arg7 : memref<!tpu.dma_semaphore, #tpu.memory_space<semaphore_mem>>) src(%arg4 : memref<32x1024xf32, #tpu.memory_space<vmem>>) dst(%dma_wait3A_412 : memref<32x1024xf32, #tpu.memory_space<hbm>>)
    %dma_wait3A_413 = arith.constant 0 : i32
    %dma_wait3A_414 = tpu.memref_slice %arg3[%add3A_330, %dma_wait3A_413] : memref<32768x1024xf32, #tpu.memory_space<hbm>> -> memref<32x1024xf32, #tpu.memory_space<hbm>>
    %dma_wait3A_415 = arith.constant 0 : i32
    %dma_wait3A_416 = tpu.memref_slice %arg3[%add3A_330, %dma_wait3A_415] : memref<32768x1024xf32, #tpu.memory_space<hbm>> -> memref<32x1024xf32, #tpu.memory_space<hbm>>
    tpu.wait_dma2 semaphore(%arg7 : memref<!tpu.dma_semaphore, #tpu.memory_space<semaphore_mem>>) src(%arg4 : memref<32x1024xf32, #tpu.memory_space<vmem>>) dst(%dma_wait3A_416 : memref<32x1024xf32, #tpu.memory_space<hbm>>)
    %dma_wait3A_417 = arith.constant 0 : i32
    %dma_wait3A_418 = tpu.memref_slice %arg3[%add3A_378, %dma_wait3A_417] : memref<32768x1024xf32, #tpu.memory_space<hbm>> -> memref<32x1024xf32, #tpu.memory_space<hbm>>
    %dma_wait3A_419 = arith.constant 0 : i32
    %dma_wait3A_420 = tpu.memref_slice %arg3[%add3A_378, %dma_wait3A_419] : memref<32768x1024xf32, #tpu.memory_space<hbm>> -> memref<32x1024xf32, #tpu.memory_space<hbm>>
    tpu.wait_dma2 semaphore(%arg7 : memref<!tpu.dma_semaphore, #tpu.memory_space<semaphore_mem>>) src(%arg5 : memref<32x1024xf32, #tpu.memory_space<vmem>>) dst(%dma_wait3A_420 : memref<32x1024xf32, #tpu.memory_space<hbm>>)
    %dma_wait3A_421 = arith.constant 0 : i32
    %dma_wait3A_422 = tpu.memref_slice %arg3[%add3A_380, %dma_wait3A_421] : memref<32768x1024xf32, #tpu.memory_space<hbm>> -> memref<32x1024xf32, #tpu.memory_space<hbm>>
    %dma_wait3A_423 = arith.constant 0 : i32
    %dma_wait3A_424 = tpu.memref_slice %arg3[%add3A_380, %dma_wait3A_423] : memref<32768x1024xf32, #tpu.memory_space<hbm>> -> memref<32x1024xf32, #tpu.memory_space<hbm>>
    tpu.wait_dma2 semaphore(%arg7 : memref<!tpu.dma_semaphore, #tpu.memory_space<semaphore_mem>>) src(%arg5 : memref<32x1024xf32, #tpu.memory_space<vmem>>) dst(%dma_wait3A_424 : memref<32x1024xf32, #tpu.memory_space<hbm>>)
    %dma_wait3A_425 = arith.constant 0 : i32
    %dma_wait3A_426 = tpu.memref_slice %arg3[%add3A_382, %dma_wait3A_425] : memref<32768x1024xf32, #tpu.memory_space<hbm>> -> memref<32x1024xf32, #tpu.memory_space<hbm>>
    %dma_wait3A_427 = arith.constant 0 : i32
    %dma_wait3A_428 = tpu.memref_slice %arg3[%add3A_382, %dma_wait3A_427] : memref<32768x1024xf32, #tpu.memory_space<hbm>> -> memref<32x1024xf32, #tpu.memory_space<hbm>>
    tpu.wait_dma2 semaphore(%arg7 : memref<!tpu.dma_semaphore, #tpu.memory_space<semaphore_mem>>) src(%arg5 : memref<32x1024xf32, #tpu.memory_space<vmem>>) dst(%dma_wait3A_428 : memref<32x1024xf32, #tpu.memory_space<hbm>>)
    %dma_wait3A_429 = arith.constant 0 : i32
    %dma_wait3A_430 = tpu.memref_slice %arg3[%add3A_384, %dma_wait3A_429] : memref<32768x1024xf32, #tpu.memory_space<hbm>> -> memref<32x1024xf32, #tpu.memory_space<hbm>>
    %dma_wait3A_431 = arith.constant 0 : i32
    %dma_wait3A_432 = tpu.memref_slice %arg3[%add3A_384, %dma_wait3A_431] : memref<32768x1024xf32, #tpu.memory_space<hbm>> -> memref<32x1024xf32, #tpu.memory_space<hbm>>
    tpu.wait_dma2 semaphore(%arg7 : memref<!tpu.dma_semaphore, #tpu.memory_space<semaphore_mem>>) src(%arg5 : memref<32x1024xf32, #tpu.memory_space<vmem>>) dst(%dma_wait3A_432 : memref<32x1024xf32, #tpu.memory_space<hbm>>)
    return
  }
}

</mosaic_0001>

<sc_bundles>
// kernel: kernel.3.cloned.1.call-start
scs
__scs_entry_jumppad:
0x0: {  	(pc) =	sbr.rel $0x88, $3  }
0x1: {  	(tag) =	ssettag $0x0;
	lr =	simm.s32 $0x1  }
0x2: {  	[smem:$0x3FA0] =	sst lr;
	_ =	strace $0xD0000000  }
0x3: {  	_ = 	snop  }
0x4: {  	_ = 	snop  }
0x5: {  	_ = 	snop  }
0x6: {  	_ = 	snop  }
0x7: {  	_ = 	snop  }
__scs_overlays_trampoline_lowered:
0x8: {  	[smem:$0x3FAF] =	sst s0  }
0x9: {  	[smem:$0x3FB0] =	sst s1  }
0xa: {  	[smem:$0x3FB1] =	sst s2  }
0xb: {  	[smem:$0x3FB2] =	sst s3  }
0xc: {  	[smem:$0x3FB3] =	sst s4  }
0xd: {  	[smem:$0x3FB4] =	sst s5  }
0xe: {  	[smem:$0x3FB5] =	sst s6  }
0xf: {  	[smem:$0x3FB6] =	sst s7  }
0x10: {  	[smem:$0x3FB7] =	sst s8  }
0x11: {  	[smem:$0x3FB8] =	sst s9;
	s0 =	simm.s32 @!p0 $0x0  }
0x12: {  	s1 =	sld [smem:$0x3F9E];
	s0 =	simm.s32 @p0 $0x1  }
0x13: {  	[smem:$0x3FB9] =	sst s0;
	s0 =	simm.s32 @!p1 $0x0  }
0x14: {  	s2 =	sld [smem:$0x3F9D];
	s0 =	simm.s32 @p1 $0x1  }
0x15: {  	[smem:$0x3FBA] =	sst s0;
	s0 =	simm.s32 @!p2 $0x0  }
0x16: {  	s3 =	sld [smem:$0x3FDB];
	s0 =	simm.s32 @p2 $0x1  }
0x17: {  	s4 =	simm.s32 $0x1BF5;
	[smem:$0x3FBC] =	sst s0  }
0x18: {  	s0 =	sld [smem:$0x3F9F];
	_ =	swait.ge [sflag:s4], $0x0  }
0x19: {  	s7 =	sld [smem:$0x3FA0]  }
0x1a: {  	s8 =	sadd.s32 $0xFFFFE003, lr  }
0x1b: {  	s9 =	sadd.s32 $0xFFFFFEF7, lr;
	s5 =	simm.s32 $0xFFFFFFFF;
	p2 =	slt.u32 s8, $0xFFFFF086  }
0x1c: {  	p1 =	slt.u32 s9, $0xF7A;
	s5 =	simm.s32 @!p2 $0x0  }
0x1d: {  	s5 =	simm.s32 @p1 $0x1;
	p0 =	seq.s32 s7, s2  }
0x1e: {  	s7 =	smul.u32 @!p0 $0xF7A, s2;
	p2 =	seq.s32 @!p0 s5, $0x0  }
0x1f: {  	s9 =	smul.u32 $0xF7A, s1;
	s8 =	simm.s32 @!p0 $0x1BF5;
	p2 =	por !p2, p0  }
0x20: {  	[sflag:s8] =	ssyncset.s32 @!p0 $0xFFFFF086;
	s6 =	sadd.s32 @!p0 s3, s7;
	s7 =	simm.s32 @!p0 $0x108  }
0x21: {  	s3 =	sadd.s32 s3, s9;
	s6 =	sadd.s32 @!p0 $0x88, s6;
	s7 =	simm.s32 @p2 $0x1082  }
0x22: {  	[simem:s7], [sflag:s8] =	dma.local @!p0 [hbm:s6], $0xF7A  }
0x23: {  	s9 =	sor.u32 $0xD0000000, s2;
	s6 =	simm.s32 $0x108;
	_ =	swait.ge @!p0 [sflag:s8], $0x0  }
0x24: {  	s3 =	sadd.s32 $0x88, s3;
	s6 =	simm.s32 @!p1 $0x1082;
	[sflag:s4] =	ssyncset.s32 $0xFFFFF086  }
0x25: {  	[simem:s6], [sflag:s4] =	dma.local [hbm:s3], $0xF7A  }
0x26: {  	[smem:$0x3FA0] =	sst s1;
	(tag) =	ssettag s2;
	_ =	strace s9  }
0x27: {  	s1 =	sld [smem:$0x3FB0]  }
0x28: {  	s2 =	sld [smem:$0x3FB1]  }
0x29: {  	s4 =	sld [smem:$0x3FB3]  }
0x2a: {  	p0 =	seq.s32 s5, $0x0;
	s5 =	sld [smem:$0x3FB4]  }
0x2b: {  	s6 =	sld [smem:$0x3FB5]  }
0x2c: {  	s7 =	sld [smem:$0x3FB6]  }
0x2d: {  	s3 =	simm.s32 $0x108;
	s8 =	sld [smem:$0x3FB7]  }
0x2e: {  	s3 =	simm.s32 @!p0 $0x1082;
	s9 =	sld [smem:$0x3FB8]  }
0x2f: {  	lr =	sadd.s32 s0, s3;
	s0 =	sld [smem:$0x3FAF]  }
0x30: {  	s3 =	sld [smem:$0x3FB2]  }
0x31: {  	[smem:$0x3FBB] =	sst s10  }
0x32: {  	s10 =	sld [smem:$0x3FB9];
	_ =	sdelay $0x3  }
0x33: {  	p0 =	seq.s32 s10, $0x1;
	s10 =	sld [smem:$0x3FBB];
	_ =	sdelay $0x3  }
0x34: {  	[smem:$0x3FBB] =	sst s10  }
0x35: {  	s10 =	sld [smem:$0x3FBA];
	_ =	sdelay $0x3  }
0x36: {  	p1 =	seq.s32 s10, $0x1;
	s10 =	sld [smem:$0x3FBB];
	_ =	sdelay $0x3  }
0x37: {  	[smem:$0x3FBB] =	sst s10  }
0x38: {  	s10 =	sld [smem:$0x3FBC]  }
0x39: {  	_ = 	snop;
	(pc) =	sbr.ind lr, $3  }
0x3a: {  	_ = 	snop  }
0x3b: {  	_ = 	snop  }
0x3c: {  	p2 =	seq.s32 s10, $0x1;
	s10 =	sld [smem:$0x3FBB]  }
0x3d: {  	_ =	shalt  }
0x3e: {  	_ =	shalt  }
0x3f: {  	_ =	shalt  }
0x40: {  	_ =	shalt  }
0x41: {  	_ =	shalt  }
0x42: {  	_ =	shalt  }
0x43: {  	_ =	shalt  }
0x44: {  	_ =	shalt  }
0x45: {  	_ =	shalt  }
0x46: {  	_ =	shalt  }
0x47: {  	_ =	shalt  }
0x48: {  	_ =	shalt  }
0x49: {  	_ =	shalt  }
0x4a: {  	_ =	shalt  }
0x4b: {  	_ =	shalt  }
0x4c: {  	_ =	shalt  }
0x4d: {  	_ =	shalt  }
0x4e: {  	_ =	shalt  }
0x4f: {  	_ =	shalt  }
0x50: {  	_ =	shalt  }
0x51: {  	_ =	shalt  }
0x52: {  	_ =	shalt  }
0x53: {  	_ =	shalt  }
0x54: {  	_ =	shalt  }
0x55: {  	_ =	shalt  }
0x56: {  	_ =	shalt  }
0x57: {  	_ =	shalt  }
0x58: {  	_ =	shalt  }
0x59: {  	_ =	shalt  }
0x5a: {  	_ =	shalt  }
0x5b: {  	_ =	shalt  }
0x5c: {  	_ =	shalt  }
0x5d: {  	_ =	shalt  }
0x5e: {  	_ =	shalt  }
0x5f: {  	_ =	shalt  }
0x60: {  	_ =	shalt  }
0x61: {  	_ =	shalt  }
0x62: {  	_ =	shalt  }
0x63: {  	_ =	shalt  }
0x64: {  	_ =	shalt  }
0x65: {  	_ =	shalt  }
0x66: {  	_ =	shalt  }
0x67: {  	_ =	shalt  }
0x68: {  	_ =	shalt  }
0x69: {  	_ =	shalt  }
0x6a: {  	_ =	shalt  }
0x6b: {  	_ =	shalt  }
0x6c: {  	_ =	shalt  }
0x6d: {  	_ =	shalt  }
0x6e: {  	_ =	shalt  }
0x6f: {  	_ =	shalt  }
0x70: {  	_ =	shalt  }
0x71: {  	_ =	shalt  }
0x72: {  	_ =	shalt  }
0x73: {  	_ =	shalt  }
0x74: {  	_ =	shalt  }
0x75: {  	_ =	shalt  }
0x76: {  	_ =	shalt  }
0x77: {  	_ =	shalt  }
0x78: {  	_ =	shalt  }
0x79: {  	_ =	shalt  }
0x7a: {  	_ =	shalt  }
0x7b: {  	_ =	shalt  }
0x7c: {  	_ =	shalt  }
0x7d: {  	_ =	shalt  }
0x7e: {  	_ =	shalt  }
0x7f: {  	_ =	shalt  }
0x80: {  	_ =	shalt  }
0x81: {  	_ =	shalt  }
0x82: {  	_ =	shalt  }
0x83: {  	_ =	shalt  }
0x84: {  	_ =	shalt  }
0x85: {  	_ =	shalt  }
0x86: {  	_ =	shalt  }
0x87: {  	_ =	shalt  }
.Lfunc_end0:
.L_simem_size_0:
called_computation_lowered:
.L_overlay_start_0:
0x88: {  	s2 =	sld [smem:$0x3FD9]  }
0x89: {  	s3 =	sld [smem:$0x3FFE];
	_ =	sdelay $0x1  }
0x8a: {  	s1 =	srdreg.scid  }
0x8b: {  	s0 =	sand.u32 $0x1, s1  }
0x8c: {  	s18 =	sshll.u32 s0, $0xA;
	s2 =	sadd.s32 s3, s2  }
0x8d: {  	s2 =	sadd.s32 s2, s18  }
0x8e: {  	[smem:$0x3FC7] =	sst s2  }
0x8f: {  	_ = 	snop  }
0x90: {  	s2 =	sld [smem:$0x3FC9]  }
0x91: {  	s19 =	sld [smem:$0x3FD0];
	(tm) =	ssettm $0x1  }
0x92: {  	s4 =	sld [smem:$0x3FFB];
	_ =	sdelay $0x3  }
0x93: {  	_ =	strace s4  }
0x94: {  	s4 =	sld [smem:$0x3FFC];
	_ =	sdelay $0x3  }
0x95: {  	_ =	strace s4  }
0x96: {  	s4 =	sld [smem:$0x3FFD];
	_ =	sdelay $0x3  }
0x97: {  	_ =	strace s4  }
0x98: {  	_ =	strace $0x8FFFFFFF  }
0x99: {  	s20 =	sld [smem:$0x3FDB];
	_ =	sdelay $0x1  }
0x9a: {  	s5 =	simm.s32 $_scs_section_size  }
0x9b: {  	s6 =	simm.s32 $_size__tile_overlayer_lowered;
	s7 =	simm.s32 $_tile_overlayer_lowered  }
0x9c: {  	s23 =	simm.s32 $0x1BFF;
	s22 =	sshll.u32 s7, $0x1;
	s4 =	sadd.s32 s5, s20  }
0x9d: {  	s8 =	simm.s32 $0x0;
	s21 =	sshll.u32 s6, $0x1;
	s6 =	sadd.s32 s22, s4  }
0x9e: {  	[timem:s8], [sflag:s23] =	dma.local [hbm:s6], s21  }
0x9f: {  	_ =	swait.ge [sflag:s23], s21  }
0xa0: {  	s5 =	ssub.s32 $0x0, s21;
	[sflag:s23] =	ssyncset.done $0x0  }
0xa1: {  	[sflag:s23] =	ssyncadd.s32 s5;
	_ =	sdelay $0x1  }
0xa2: {  	s24 =	simm.s32 $0x1B8B  }
0xa3: {  	_ =	swait.ge [sflag:s24], $0x1  }
0xa4: {  	[sflag:s24] =	ssyncset.done $0x0  }
0xa5: {  	s25 =	simm.s32 $0x1B8E;
	[sflag:s24] =	ssyncadd.s32 $0xFFFFFFFF  }
0xa6: {  	s26 =	simm.s32 $execute0_lowered;
	[smem:$0x3FD2] =	sst s25  }
0xa7: {  	s5 =	sshll.u32 s26, $0x1;
	_ =	strace $0x80000046;
	[dreg:$0x1] =	wrdreg $0xFFFFFFFF  }
0xa8: {  	s28 =	simm.s32 $_size_execute0_lowered;
	s4 =	sadd.s32 s4, s5;
	[dreg:$0x0] =	wrdreg $0x0  }
0xa9: {  	s5 =	sshll.u32 s28, $0x1;
	[dreg:$0x2] =	wrdreg s4  }
0xaa: {  	[dreg:$0x3] =	wrdreg s5  }
0xab: {  	[dreg:$0x4] =	wrdreg $0xC0  }
0xac: {  	_ =	task [dreg:s8], $0x5FFFF  }
0xad: {  	[dreg:$0x1] =	wrdreg $0xFFFFFFFF  }
0xae: {  	[dreg:$0x0] =	wrdreg $0x60  }
0xaf: {  	[dreg:$0x2] =	wrdreg s2  }
0xb0: {  	[dreg:$0x3] =	wrdreg s19  }
0xb1: {  	[dreg:$0x4] =	wrdreg $0x9  }
0xb2: {  	_ =	task.clear_ibuf [dreg:s8], $0x5FFFF;
	_ =	strace $0x90000046  }
0xb3: {  	s29 =	simm.s32 $0x9;
	_ =	strace $0x80000048  }
0xb4: {  	_ =	swait.ge [sflag:s29], $0x1  }
0xb5: {  	[sflag:s29] =	ssyncadd.s32 $0xFFFFFFFF  }
0xb6: {  	_ =	strace $0x90000048  }
0xb7: {  	_ =	sfence  }
0xb8: {  	s30 =	sld [smem:$0x0];
	_ =	sdelay $0x2  }
0xb9: {  	s31 =	sshll.u32 s1, $0xD;
	s1 =	sshrl.u32 s1, $0x2  }
0xba: {  	s3 =	sand.u32 $0x4000, s31;
	s1 =	sadd.s32 s1, s30  }
0xbb: {  	s0 =	sor.u32 s3, s0;
	s1 =	sshll.u32 s1, $0x11  }
0xbc: {  	s0 =	sor.u32 s1, s0  }
0xbd: {  	s0 =	sadd.s32 $0x8F2B, s0  }
0xbe: {  	[sflag:s0] =	ssyncadd.remote.s32 $0x1  }
0xbf: {  	_ =	sfence.sel $0xFFFF  }
0xc0: {  	[dreg:$0x0] =	wrdreg $0xFFFFFFFF;
	(pc) =	sbr.abs _section_cstart, $3  }
0xc1: {  	[dreg:$0x1] =	wrdreg $0xFFFFFFFF  }
0xc2: {  	_ =	task.clear_ibuf [dreg:s8], $0x2FFFF;
	_ =	strace $0x9FFFFFFF  }
0xc3: {  	(tm) =	ssettm $0x7FFFFFFF  }
tec
execute0_lowered:
.L_overlay_start_1:
0x0: {  	(tag) =	ssettag $0x1  }
0x1: {  	s1 =	srdreg.scid  }
0x2: {  	s3 =	rddreg [dreg:$0x0];
	s4 =	stileid.u32;
	s1 =	sand.u32 $0x1, s1  }
0x3: {  	s0 =	rddreg [dreg:$0x1];
	s4 =	sshll.u32 s4, $0x10;
	s5 =	sshll.u32 s1, $0xF  }
0x4: {  	s2 =	simm.s32 $0x0;
	p0 =	por $0x0, $0x0;
	s8 =	sor.u32 s5, s4  }
0x5: {  	[smem:$0x7FF] =	sst s2;
	s5 =	sadd.s32 s3, s8;
	s4 =	sadd.s32 s0, s8  }
0x6: {  	_ =	strace $0x80000047;
	[dreg:$0x3] =	wrdreg s5;
	s19 =	sadd.s32 $0x100000, s4  }
0x7: {  	s1 =	ssub.s32 $0x2, s1;
	s20 =	sadd.s32 $0x200000, s4;
	[dreg:$0x4] =	wrdreg s19  }
0x8: {  	s6 =	sor.u32 $0x1000, s8;
	s21 =	sadd.s32 $0x300000, s4;
	[dreg:$0x5] =	wrdreg s20  }
0x9: {  	s31 =	sor.u32 $0x2000, s8;
	s22 =	sadd.s32 s3, s6;
	[dreg:$0x6] =	wrdreg s21  }
0xa: {  	s13 =	sor.u32 $0x3000, s8;
	s23 =	sadd.s32 s0, s6;
	[dreg:$0x7] =	wrdreg s22  }
0xb: {  	s15 =	sor.u32 $0x4000, s8;
	s24 =	sadd.s32 $0x101000, s4;
	[dreg:$0x8] =	wrdreg s23  }
0xc: {  	s16 =	sor.u32 $0x5000, s8;
	s25 =	sadd.s32 $0x201000, s4;
	[dreg:$0x9] =	wrdreg s24  }
0xd: {  	s18 =	sor.u32 $0x6000, s8;
	s26 =	sadd.s32 $0x301000, s4;
	[dreg:$0xa] =	wrdreg s25  }
0xe: {  	s7 =	sadd.s32 s3, s31;
	s9 =	sadd.s32 s0, s31;
	[dreg:$0xb] =	wrdreg s26  }
0xf: {  	s10 =	sadd.s32 $0x102000, s4;
	s11 =	sadd.s32 $0x202000, s4;
	[dreg:$0xc] =	wrdreg s7  }
0x10: {  	s12 =	sadd.s32 $0x302000, s4;
	s14 =	sadd.s32 s3, s13;
	[dreg:$0xd] =	wrdreg s9  }
0x11: {  	s28 =	sadd.s32 $0x103000, s4;
	s29 =	sadd.s32 $0x203000, s4;
	[dreg:$0xe] =	wrdreg s10  }
0x12: {  	s30 =	sadd.s32 $0x303000, s4;
	s5 =	sadd.s32 s0, s16;
	[dreg:$0xf] =	wrdreg s11  }
0x13: {  	s17 =	sadd.s32 $0x105000, s4;
	s31 =	sor.u32 $0x7000, s8;
	[dreg:$0x10] =	wrdreg s12  }
0x14: {  	s8 =	sadd.s32 $0x307000, s4;
	s7 =	sshrl.u32 s1, $0x1;
	[dreg:$0x11] =	wrdreg s14  }
0x15: {  	s26 =	sadd.s32 s0, s13;
	s25 =	sadd.s32 s3, s15;
	s21 =	sadd.s32 s0, s15  }
0x16: {  	s22 =	sadd.s32 $0x104000, s4;
	s23 =	sadd.s32 $0x204000, s4;
	s24 =	sadd.s32 $0x304000, s4  }
0x17: {  	s20 =	sadd.s32 s3, s16;
	[dreg:$0x13] =	wrdreg s5;
	s1 =	ssub.s32 s1, s7  }
0x18: {  	[dreg:$0x14] =	wrdreg s17;
	s19 =	sadd.s32 $0x205000, s4;
	s1 =	smax.u32 s1, $0x1  }
0x19: {  	s15 =	sadd.s32 s3, s18;
	s12 =	sadd.s32 s0, s18;
	p1 =	sne.s32 s1, $0x1  }
.Ltmp0:
0x1a: {  	s17 =	sadd.s32 $0x106000, s4;
	s13 =	sadd.s32 $0x206000, s4;
	(pc) =	sbr.rel @!p1 .LBB2_3-.Ltmp0, $4  }
0x1b: {  	s6 =	sadd.s32 s3, s31;
	s5 =	sadd.s32 s0, s31;
	s14 =	sadd.s32 $0x306000, s4  }
0x1c: {  	s18 =	sadd.s32 $0x107000, s4;
	s10 =	simm.s32 $0x1;
	s9 =	simm.s32 $0x8000  }
0x1d: {  	s3 =	simm.s32 $0x2;
	[dreg:$0x15] =	wrdreg s19;
	s19 =	sadd.s32 $0x305000, s4  }
0x1e: {  	s7 =	sadd.s32 $0x207000, s4;
	s11 =	sadd.s32 $0xFFFFFFFF, s1;
	s1 =	rddreg [dreg:$0x3]  }
0x1f: {  	[tilespmem:s2], [sflag:$0x1] =	stream.linear.gather [hbm4b:s1+s2], $0x8000, $0x38;
	[tilespmem:$0x10000] =	vst v63  }
0x20: {  	_ =	swait.ge [sflag:s10], $0x8000  }
0x21: {  	[sflag:s10] =	ssyncset.done $0x0  }
0x22: {  	[sflag:s10] =	ssyncadd.s32 $0xFFFF8000  }
0x23: {  	[hbm4b:s4+s2] =	stream.linear.scatter [tilespmem:s2], [sflag:$0x2], $0x8000, $0x38;
	[tilespmem:$0x10000] =	vst v63  }
0x24: {  	s16 =	rddreg [dreg:$0x4]  }
0x25: {  	[hbm4b:s16+s2] =	stream.linear.scatter [tilespmem:s2], [sflag:$0x2], $0x8000, $0x38;
	[tilespmem:$0x10000] =	vst v63  }
0x26: {  	s0 =	rddreg [dreg:$0x5]  }
0x27: {  	[hbm4b:s0+s2] =	stream.linear.scatter [tilespmem:s2], [sflag:$0x2], $0x8000, $0x38;
	[tilespmem:$0x10000] =	vst v63  }
0x28: {  	s1 =	rddreg [dreg:$0x6]  }
0x29: {  	[hbm4b:s1+s2] =	stream.linear.scatter [tilespmem:s2], [sflag:$0x2], $0x8000, $0x38;
	[tilespmem:$0x10000] =	vst v63  }
0x2a: {  	s16 =	rddreg [dreg:$0x7]  }
0x2b: {  	[tilespmem:s9], [sflag:$0x1] =	stream.linear.gather [hbm4b:s16+s2], $0x8000, $0x38;
	[tilespmem:$0x10000] =	vst v63  }
0x2c: {  	_ =	swait.ge [sflag:s10], $0x8000  }
0x2d: {  	[sflag:s10] =	ssyncset.done $0x0  }
0x2e: {  	s1 =	rddreg [dreg:$0x8];
	[sflag:s10] =	ssyncadd.s32 $0xFFFF8000  }
0x2f: {  	[hbm4b:s1+s2] =	stream.linear.scatter [tilespmem:s9], [sflag:$0x2], $0x8000, $0x38;
	[tilespmem:$0x10000] =	vst v63  }
0x30: {  	s16 =	rddreg [dreg:$0x9]  }
0x31: {  	[hbm4b:s16+s2] =	stream.linear.scatter [tilespmem:s9], [sflag:$0x2], $0x8000, $0x38;
	[tilespmem:$0x10000] =	vst v63  }
0x32: {  	s0 =	rddreg [dreg:$0xa]  }
0x33: {  	[hbm4b:s0+s2] =	stream.linear.scatter [tilespmem:s9], [sflag:$0x2], $0x8000, $0x38;
	[tilespmem:$0x10000] =	vst v63  }
0x34: {  	s16 =	rddreg [dreg:$0xb]  }
0x35: {  	[hbm4b:s16+s2] =	stream.linear.scatter [tilespmem:s9], [sflag:$0x2], $0x8000, $0x38;
	[tilespmem:$0x10000] =	vst v63  }
0x36: {  	_ =	swait.ge [sflag:s3], $0x8000  }
0x37: {  	[sflag:s3] =	ssyncset.done $0x0  }
0x38: {  	[sflag:s3] =	ssyncadd.s32 $0xFFFF8000  }
0x39: {  	_ =	swait.ge [sflag:s3], $0x8000  }
0x3a: {  	[sflag:s3] =	ssyncset.done $0x0  }
0x3b: {  	[sflag:s3] =	ssyncadd.s32 $0xFFFF8000  }
0x3c: {  	_ =	swait.ge [sflag:s3], $0x8000  }
0x3d: {  	[sflag:s3] =	ssyncset.done $0x0  }
0x3e: {  	[sflag:s3] =	ssyncadd.s32 $0xFFFF8000  }
0x3f: {  	_ =	swait.ge [sflag:s3], $0x8000  }
0x40: {  	[sflag:s3] =	ssyncset.done $0x0  }
0x41: {  	s16 =	rddreg [dreg:$0xc];
	[sflag:s3] =	ssyncadd.s32 $0xFFFF8000  }
0x42: {  	[tilespmem:s2], [sflag:$0x1] =	stream.linear.gather [hbm4b:s16+s2], $0x8000, $0x38;
	[tilespmem:$0x10000] =	vst v63  }
0x43: {  	_ =	swait.ge [sflag:s10], $0x8000  }
0x44: {  	[sflag:s10] =	ssyncset.done $0x0  }
0x45: {  	s1 =	rddreg [dreg:$0xd];
	[sflag:s10] =	ssyncadd.s32 $0xFFFF8000  }
0x46: {  	[hbm4b:s1+s2] =	stream.linear.scatter [tilespmem:s2], [sflag:$0x2], $0x8000, $0x38;
	[tilespmem:$0x10000] =	vst v63  }
0x47: {  	s16 =	rddreg [dreg:$0xe]  }
0x48: {  	[hbm4b:s16+s2] =	stream.linear.scatter [tilespmem:s2], [sflag:$0x2], $0x8000, $0x38;
	[tilespmem:$0x10000] =	vst v63  }
0x49: {  	s0 =	rddreg [dreg:$0xf]  }
0x4a: {  	[hbm4b:s0+s2] =	stream.linear.scatter [tilespmem:s2], [sflag:$0x2], $0x8000, $0x38;
	[tilespmem:$0x10000] =	vst v63  }
0x4b: {  	s16 =	rddreg [dreg:$0x10]  }
0x4c: {  	[hbm4b:s16+s2] =	stream.linear.scatter [tilespmem:s2], [sflag:$0x2], $0x8000, $0x38;
	[tilespmem:$0x10000] =	vst v63  }
0x4d: {  	_ =	swait.ge [sflag:s3], $0x8000  }
0x4e: {  	[sflag:s3] =	ssyncset.done $0x0  }
0x4f: {  	[sflag:s3] =	ssyncadd.s32 $0xFFFF8000  }
0x50: {  	_ =	swait.ge [sflag:s3], $0x8000  }
0x51: {  	[sflag:s3] =	ssyncset.done $0x0  }
0x52: {  	[sflag:s3] =	ssyncadd.s32 $0xFFFF8000  }
0x53: {  	_ =	swait.ge [sflag:s3], $0x8000  }
0x54: {  	[sflag:s3] =	ssyncset.done $0x0  }
0x55: {  	[sflag:s3] =	ssyncadd.s32 $0xFFFF8000  }
0x56: {  	_ =	swait.ge [sflag:s3], $0x8000  }
0x57: {  	[sflag:s3] =	ssyncset.done $0x0  }
0x58: {  	s1 =	rddreg [dreg:$0x11];
	[sflag:s3] =	ssyncadd.s32 $0xFFFF8000  }
0x59: {  	[tilespmem:s9], [sflag:$0x1] =	stream.linear.gather [hbm4b:s1+s2], $0x8000, $0x38;
	[tilespmem:$0x10000] =	vst v63  }
0x5a: {  	_ =	swait.ge [sflag:s10], $0x8000  }
0x5b: {  	[sflag:s10] =	ssyncset.done $0x0  }
0x5c: {  	[sflag:s10] =	ssyncadd.s32 $0xFFFF8000  }
0x5d: {  	[hbm4b:s26+s2] =	stream.linear.scatter [tilespmem:s9], [sflag:$0x2], $0x8000, $0x38;
	[tilespmem:$0x10000] =	vst v63  }
0x5e: {  	_ = 	snop  }
0x5f: {  	[hbm4b:s28+s2] =	stream.linear.scatter [tilespmem:s9], [sflag:$0x2], $0x8000, $0x38;
	[tilespmem:$0x10000] =	vst v63  }
0x60: {  	_ = 	snop  }
0x61: {  	[hbm4b:s29+s2] =	stream.linear.scatter [tilespmem:s9], [sflag:$0x2], $0x8000, $0x38;
	[tilespmem:$0x10000] =	vst v63  }
0x62: {  	_ = 	snop  }
0x63: {  	[hbm4b:s30+s2] =	stream.linear.scatter [tilespmem:s9], [sflag:$0x2], $0x8000, $0x38;
	[tilespmem:$0x10000] =	vst v63  }
0x64: {  	_ =	swait.ge [sflag:s3], $0x8000  }
0x65: {  	[sflag:s3] =	ssyncset.done $0x0  }
0x66: {  	[sflag:s3] =	ssyncadd.s32 $0xFFFF8000  }
0x67: {  	_ =	swait.ge [sflag:s3], $0x8000  }
0x68: {  	[sflag:s3] =	ssyncset.done $0x0  }
0x69: {  	[sflag:s3] =	ssyncadd.s32 $0xFFFF8000  }
0x6a: {  	_ =	swait.ge [sflag:s3], $0x8000  }
0x6b: {  	[sflag:s3] =	ssyncset.done $0x0  }
0x6c: {  	[sflag:s3] =	ssyncadd.s32 $0xFFFF8000  }
0x6d: {  	_ =	swait.ge [sflag:s3], $0x8000  }
0x6e: {  	[sflag:s3] =	ssyncset.done $0x0  }
0x6f: {  	[sflag:s3] =	ssyncadd.s32 $0xFFFF8000  }
0x70: {  	[tilespmem:s2], [sflag:$0x1] =	stream.linear.gather [hbm4b:s25+s2], $0x8000, $0x38;
	[tilespmem:$0x10000] =	vst v63  }
0x71: {  	_ =	swait.ge [sflag:s10], $0x8000  }
0x72: {  	[sflag:s10] =	ssyncset.done $0x0  }
0x73: {  	[sflag:s10] =	ssyncadd.s32 $0xFFFF8000  }
0x74: {  	[hbm4b:s21+s2] =	stream.linear.scatter [tilespmem:s2], [sflag:$0x2], $0x8000, $0x38;
	[tilespmem:$0x10000] =	vst v63  }
0x75: {  	_ = 	snop  }
0x76: {  	[hbm4b:s22+s2] =	stream.linear.scatter [tilespmem:s2], [sflag:$0x2], $0x8000, $0x38;
	[tilespmem:$0x10000] =	vst v63  }
0x77: {  	_ = 	snop  }
0x78: {  	[hbm4b:s23+s2] =	stream.linear.scatter [tilespmem:s2], [sflag:$0x2], $0x8000, $0x38;
	[tilespmem:$0x10000] =	vst v63  }
0x79: {  	_ = 	snop  }
0x7a: {  	[hbm4b:s24+s2] =	stream.linear.scatter [tilespmem:s2], [sflag:$0x2], $0x8000, $0x38;
	[tilespmem:$0x10000] =	vst v63  }
0x7b: {  	_ =	swait.ge [sflag:s3], $0x8000  }
0x7c: {  	[sflag:s3] =	ssyncset.done $0x0  }
0x7d: {  	[sflag:s3] =	ssyncadd.s32 $0xFFFF8000  }
0x7e: {  	_ =	swait.ge [sflag:s3], $0x8000  }
0x7f: {  	[sflag:s3] =	ssyncset.done $0x0  }
0x80: {  	[sflag:s3] =	ssyncadd.s32 $0xFFFF8000  }
0x81: {  	_ =	swait.ge [sflag:s3], $0x8000  }
0x82: {  	[sflag:s3] =	ssyncset.done $0x0  }
0x83: {  	[sflag:s3] =	ssyncadd.s32 $0xFFFF8000  }
0x84: {  	_ =	swait.ge [sflag:s3], $0x8000  }
0x85: {  	[sflag:s3] =	ssyncset.done $0x0  }
0x86: {  	[sflag:s3] =	ssyncadd.s32 $0xFFFF8000  }
0x87: {  	[tilespmem:s9], [sflag:$0x1] =	stream.linear.gather [hbm4b:s20+s2], $0x8000, $0x38;
	[tilespmem:$0x10000] =	vst v63  }
0x88: {  	_ =	swait.ge [sflag:s10], $0x8000  }
0x89: {  	[sflag:s10] =	ssyncset.done $0x0  }
0x8a: {  	s16 =	rddreg [dreg:$0x13];
	[sflag:s10] =	ssyncadd.s32 $0xFFFF8000  }
0x8b: {  	[hbm4b:s16+s2] =	stream.linear.scatter [tilespmem:s9], [sflag:$0x2], $0x8000, $0x38;
	[tilespmem:$0x10000] =	vst v63  }
0x8c: {  	s1 =	rddreg [dreg:$0x14]  }
0x8d: {  	[hbm4b:s1+s2] =	stream.linear.scatter [tilespmem:s9], [sflag:$0x2], $0x8000, $0x38;
	[tilespmem:$0x10000] =	vst v63  }
0x8e: {  	s16 =	rddreg [dreg:$0x15]  }
0x8f: {  	[hbm4b:s16+s2] =	stream.linear.scatter [tilespmem:s9], [sflag:$0x2], $0x8000, $0x38;
	[tilespmem:$0x10000] =	vst v63  }
0x90: {  	_ = 	snop  }
0x91: {  	[hbm4b:s19+s2] =	stream.linear.scatter [tilespmem:s9], [sflag:$0x2], $0x8000, $0x38;
	[tilespmem:$0x10000] =	vst v63  }
0x92: {  	_ =	swait.ge [sflag:s3], $0x8000  }
0x93: {  	[sflag:s3] =	ssyncset.done $0x0  }
0x94: {  	[sflag:s3] =	ssyncadd.s32 $0xFFFF8000  }
0x95: {  	_ =	swait.ge [sflag:s3], $0x8000  }
0x96: {  	[sflag:s3] =	ssyncset.done $0x0  }
0x97: {  	[sflag:s3] =	ssyncadd.s32 $0xFFFF8000  }
0x98: {  	_ =	swait.ge [sflag:s3], $0x8000  }
0x99: {  	[sflag:s3] =	ssyncset.done $0x0  }
0x9a: {  	[sflag:s3] =	ssyncadd.s32 $0xFFFF8000  }
0x9b: {  	_ =	swait.ge [sflag:s3], $0x8000  }
0x9c: {  	[sflag:s3] =	ssyncset.done $0x0  }
0x9d: {  	[sflag:s3] =	ssyncadd.s32 $0xFFFF8000  }
0x9e: {  	[tilespmem:s2], [sflag:$0x1] =	stream.linear.gather [hbm4b:s15+s2], $0x8000, $0x38;
	[tilespmem:$0x10000] =	vst v63  }
0x9f: {  	_ =	swait.ge [sflag:s10], $0x8000  }
0xa0: {  	[sflag:s10] =	ssyncset.done $0x0  }
0xa1: {  	[sflag:s10] =	ssyncadd.s32 $0xFFFF8000  }
0xa2: {  	[hbm4b:s12+s2] =	stream.linear.scatter [tilespmem:s2], [sflag:$0x2], $0x8000, $0x38;
	[tilespmem:$0x10000] =	vst v63  }
0xa3: {  	_ = 	snop  }
0xa4: {  	[hbm4b:s17+s2] =	stream.linear.scatter [tilespmem:s2], [sflag:$0x2], $0x8000, $0x38;
	[tilespmem:$0x10000] =	vst v63  }
0xa5: {  	_ = 	snop  }
0xa6: {  	[hbm4b:s13+s2] =	stream.linear.scatter [tilespmem:s2], [sflag:$0x2], $0x8000, $0x38;
	[tilespmem:$0x10000] =	vst v63  }
0xa7: {  	_ = 	snop  }
0xa8: {  	[hbm4b:s14+s2] =	stream.linear.scatter [tilespmem:s2], [sflag:$0x2], $0x8000, $0x38;
	[tilespmem:$0x10000] =	vst v63  }
0xa9: {  	_ =	swait.ge [sflag:s3], $0x8000  }
0xaa: {  	[sflag:s3] =	ssyncset.done $0x0  }
0xab: {  	[sflag:s3] =	ssyncadd.s32 $0xFFFF8000  }
0xac: {  	_ =	swait.ge [sflag:s3], $0x8000  }
0xad: {  	[sflag:s3] =	ssyncset.done $0x0  }
0xae: {  	[sflag:s3] =	ssyncadd.s32 $0xFFFF8000  }
0xaf: {  	_ =	swait.ge [sflag:s3], $0x8000  }
0xb0: {  	[sflag:s3] =	ssyncset.done $0x0  }
0xb1: {  	[sflag:s3] =	ssyncadd.s32 $0xFFFF8000  }
0xb2: {  	_ =	swait.ge [sflag:s3], $0x8000  }
0xb3: {  	[sflag:s3] =	ssyncset.done $0x0  }
0xb4: {  	[sflag:s3] =	ssyncadd.s32 $0xFFFF8000  }
0xb5: {  	[tilespmem:s9], [sflag:$0x1] =	stream.linear.gather [hbm4b:s6+s2], $0x8000, $0x38;
	[tilespmem:$0x10000] =	vst v63  }
0xb6: {  	_ =	swait.ge [sflag:s10], $0x8000  }
0xb7: {  	[sflag:s10] =	ssyncset.done $0x0  }
0xb8: {  	[sflag:s10] =	ssyncadd.s32 $0xFFFF8000  }
0xb9: {  	[hbm4b:s5+s2] =	stream.linear.scatter [tilespmem:s9], [sflag:$0x2], $0x8000, $0x38;
	[tilespmem:$0x10000] =	vst v63  }
0xba: {  	_ = 	snop  }
0xbb: {  	[hbm4b:s18+s2] =	stream.linear.scatter [tilespmem:s9], [sflag:$0x2], $0x8000, $0x38;
	[tilespmem:$0x10000] =	vst v63  }
0xbc: {  	_ = 	snop  }
0xbd: {  	[hbm4b:s7+s2] =	stream.linear.scatter [tilespmem:s9], [sflag:$0x2], $0x8000, $0x38;
	[tilespmem:$0x10000] =	vst v63  }
0xbe: {  	_ = 	snop  }
0xbf: {  	[hbm4b:s8+s2] =	stream.linear.scatter [tilespmem:s9], [sflag:$0x2], $0x8000, $0x38;
	[tilespmem:$0x10000] =	vst v63  }
0xc0: {  	_ =	swait.ge [sflag:s3], $0x8000  }
0xc1: {  	[sflag:s3] =	ssyncset.done $0x0  }
0xc2: {  	[sflag:s3] =	ssyncadd.s32 $0xFFFF8000  }
0xc3: {  	_ =	swait.ge [sflag:s3], $0x8000  }
0xc4: {  	[sflag:s3] =	ssyncset.done $0x0  }
0xc5: {  	[sflag:s3] =	ssyncadd.s32 $0xFFFF8000  }
0xc6: {  	_ =	swait.ge [sflag:s3], $0x8000  }
0xc7: {  	[sflag:s3] =	ssyncset.done $0x0  }
0xc8: {  	[sflag:s3] =	ssyncadd.s32 $0xFFFF8000  }
0xc9: {  	_ =	swait.ge [sflag:s3], $0x8000  }
0xca: {  	[sflag:s3] =	ssyncset.done $0x0  }
0xcb: {  	[sflag:s3] =	ssyncadd.s32 $0xFFFF8000  }
0xcc: {  	_ =	swait.ge [sflag:s3], $0x8000  }
0xcd: {  	[sflag:s3] =	ssyncset.done $0x0  }
0xce: {  	[sflag:s3] =	ssyncadd.s32 $0xFFFF8000  }
0xcf: {  	_ =	swait.ge [sflag:s3], $0x8000  }
0xd0: {  	[sflag:s3] =	ssyncset.done $0x0  }
0xd1: {  	p1 =	sne.s32 s11, $0x1;
	[sflag:s3] =	ssyncadd.s32 $0xFFFF8000  }
.Ltmp1:
0xd2: {  	_ =	swait.ge [sflag:s3], $0x8000;
	(pc) =	sbr.rel @!p1 .LBB2_3-.Ltmp1, $4  }
0xd3: {  	[sflag:s3] =	ssyncset.done $0x0  }
0xd4: {  	[sflag:s3] =	ssyncadd.s32 $0xFFFF8000  }
0xd5: {  	s31 =	sadd.s32 $0xFFFFFFFF, s11;
	_ =	swait.ge [sflag:s3], $0x8000;
	[dreg:$0x12] =	wrdreg s4  }
0xd6: {  	p0 =	por $0x1, $0x1;
	s1 =	rddreg [dreg:$0x3];
	[sflag:s3] =	ssyncset.done $0x0  }
.LBB2_2:
0xd7: {  	[sflag:s3] =	ssyncadd.s32 $0xFFFF8000;
	s0 =	simm.s32 $0x1  }
0xd8: {  	[tilespmem:s2], [sflag:$0x1] =	stream.linear.gather [hbm4b:s1+s2], $0x8000, $0x38;
	[tilespmem:$0x10000] =	vst v63  }
0xd9: {  	s9 =	smov.u32 s30;
	s30 =	smov.u32 s29;
	_ =	swait.ge [sflag:s10], $0x8000  }
0xda: {  	s29 =	smov.u32 s28;
	s28 =	smov.u32 s26;
	[sflag:s10] =	ssyncset.done $0x0  }
0xdb: {  	s26 =	smov.u32 s25;
	s25 =	smov.u32 s24;
	[sflag:s10] =	ssyncadd.s32 $0xFFFF8000  }
0xdc: {  	[hbm4b:s4+s2] =	stream.linear.scatter [tilespmem:s2], [sflag:$0x2], $0x8000, $0x38;
	[tilespmem:$0x10000] =	vst v63  }
0xdd: {  	s24 =	smov.u32 s23;
	s23 =	smov.u32 s22;
	s1 =	rddreg [dreg:$0x4]  }
0xde: {  	[hbm4b:s1+s2] =	stream.linear.scatter [tilespmem:s2], [sflag:$0x2], $0x8000, $0x38;
	[tilespmem:$0x10000] =	vst v63  }
0xdf: {  	s11 =	smov.u32 s8;
	s8 =	smov.u32 s7;
	s7 =	rddreg [dreg:$0x5]  }
0xe0: {  	[hbm4b:s7+s2] =	stream.linear.scatter [tilespmem:s2], [sflag:$0x2], $0x8000, $0x38;
	[tilespmem:$0x10000] =	vst v63  }
0xe1: {  	s16 =	smov.u32 s14;
	s14 =	smov.u32 s13;
	s13 =	rddreg [dreg:$0x6]  }
0xe2: {  	[hbm4b:s13+s2] =	stream.linear.scatter [tilespmem:s2], [sflag:$0x2], $0x8000, $0x38;
	[tilespmem:$0x10000] =	vst v63  }
0xe3: {  	s22 =	smov.u32 s21;
	s21 =	rddreg [dreg:$0x7];
	s10 =	simm.s32 $0x8000  }
0xe4: {  	[tilespmem:s10], [sflag:$0x1] =	stream.linear.gather [hbm4b:s21+s2], $0x8000, $0x38;
	[tilespmem:$0x10000] =	vst v63  }
0xe5: {  	_ =	swait.ge [sflag:s0], $0x8000  }
0xe6: {  	[sflag:s0] =	ssyncset.done $0x0  }
0xe7: {  	s4 =	rddreg [dreg:$0x8];
	[sflag:s0] =	ssyncadd.s32 $0xFFFF8000  }
0xe8: {  	[hbm4b:s4+s2] =	stream.linear.scatter [tilespmem:s10], [sflag:$0x2], $0x8000, $0x38;
	[tilespmem:$0x10000] =	vst v63  }
0xe9: {  	s7 =	rddreg [dreg:$0x9]  }
0xea: {  	[hbm4b:s7+s2] =	stream.linear.scatter [tilespmem:s10], [sflag:$0x2], $0x8000, $0x38;
	[tilespmem:$0x10000] =	vst v63  }
0xeb: {  	s13 =	rddreg [dreg:$0xa]  }
0xec: {  	[hbm4b:s13+s2] =	stream.linear.scatter [tilespmem:s10], [sflag:$0x2], $0x8000, $0x38;
	[tilespmem:$0x10000] =	vst v63  }
0xed: {  	s21 =	rddreg [dreg:$0xb]  }
0xee: {  	[hbm4b:s21+s2] =	stream.linear.scatter [tilespmem:s10], [sflag:$0x2], $0x8000, $0x38;
	[tilespmem:$0x10000] =	vst v63  }
0xef: {  	_ =	swait.ge [sflag:s3], $0x8000  }
0xf0: {  	[sflag:s3] =	ssyncset.done $0x0  }
0xf1: {  	[sflag:s3] =	ssyncadd.s32 $0xFFFF8000  }
0xf2: {  	_ =	swait.ge [sflag:s3], $0x8000  }
0xf3: {  	[sflag:s3] =	ssyncset.done $0x0  }
0xf4: {  	[sflag:s3] =	ssyncadd.s32 $0xFFFF8000  }
0xf5: {  	_ =	swait.ge [sflag:s3], $0x8000  }
0xf6: {  	[sflag:s3] =	ssyncset.done $0x0  }
0xf7: {  	[sflag:s3] =	ssyncadd.s32 $0xFFFF8000  }
0xf8: {  	_ =	swait.ge [sflag:s3], $0x8000  }
0xf9: {  	[sflag:s3] =	ssyncset.done $0x0  }
0xfa: {  	s10 =	simm.s32 $0x1;
	s0 =	rddreg [dreg:$0xc];
	[sflag:s3] =	ssyncadd.s32 $0xFFFF8000  }
0xfb: {  	[tilespmem:s2], [sflag:$0x1] =	stream.linear.gather [hbm4b:s0+s2], $0x8000, $0x38;
	[tilespmem:$0x10000] =	vst v63  }
0xfc: {  	_ =	swait.ge [sflag:s10], $0x8000  }
0xfd: {  	s4 =	rddreg [dreg:$0xd]  }
0xfe: {  	s7 =	rddreg [dreg:$0xe]  }
0xff: {  	s0 =	smov.u32 s5;
	[sflag:s10] =	ssyncset.done $0x0;
	s13 =	rddreg [dreg:$0xf]  }
0x100: {  	s5 =	smov.u32 s6;
	s21 =	rddreg [dreg:$0x10];
	[sflag:s10] =	ssyncadd.s32 $0xFFFF8000  }
0x101: {  	[hbm4b:s4+s2] =	stream.linear.scatter [tilespmem:s2], [sflag:$0x2], $0x8000, $0x38;
	[tilespmem:$0x10000] =	vst v63  }
0x102: {  	s6 =	smov.u32 s12;
	s12 =	smov.u32 s15;
	s15 =	rddreg [dreg:$0x13]  }
0x103: {  	[hbm4b:s7+s2] =	stream.linear.scatter [tilespmem:s2], [sflag:$0x2], $0x8000, $0x38;
	[tilespmem:$0x10000] =	vst v63  }
0x104: {  	s4 =	rddreg [dreg:$0x12]  }
0x105: {  	[hbm4b:s13+s2] =	stream.linear.scatter [tilespmem:s2], [sflag:$0x2], $0x8000, $0x38;
	[tilespmem:$0x10000] =	vst v63  }
0x106: {  	s7 =	smov.u32 s18;
	s18 =	rddreg [dreg:$0x15]  }
0x107: {  	[hbm4b:s21+s2] =	stream.linear.scatter [tilespmem:s2], [sflag:$0x2], $0x8000, $0x38;
	[tilespmem:$0x10000] =	vst v63  }
0x108: {  	s13 =	smov.u32 s17;
	s17 =	rddreg [dreg:$0x14];
	_ =	swait.ge [sflag:s3], $0x8000  }
0x109: {  	[sflag:s3] =	ssyncset.done $0x0  }
0x10a: {  	[sflag:s3] =	ssyncadd.s32 $0xFFFF8000  }
0x10b: {  	_ =	swait.ge [sflag:s3], $0x8000  }
0x10c: {  	[sflag:s3] =	ssyncset.done $0x0  }
0x10d: {  	[sflag:s3] =	ssyncadd.s32 $0xFFFF8000  }
0x10e: {  	s21 =	smov.u32 s22;
	_ =	swait.ge [sflag:s3], $0x8000  }
0x10f: {  	s22 =	smov.u32 s23;
	s23 =	smov.u32 s24;
	[sflag:s3] =	ssyncset.done $0x0  }
0x110: {  	s24 =	smov.u32 s25;
	s25 =	smov.u32 s26;
	[sflag:s3] =	ssyncadd.s32 $0xFFFF8000  }
0x111: {  	s26 =	smov.u32 s28;
	s28 =	smov.u32 s29;
	_ =	swait.ge [sflag:s3], $0x8000  }
0x112: {  	s29 =	smov.u32 s30;
	s30 =	smov.u32 s9;
	[sflag:s3] =	ssyncset.done $0x0  }
0x113: {  	s9 =	simm.s32 $0x8000;
	s1 =	rddreg [dreg:$0x11];
	[sflag:s3] =	ssyncadd.s32 $0xFFFF8000  }
0x114: {  	[tilespmem:s9], [sflag:$0x1] =	stream.linear.gather [hbm4b:s1+s2], $0x8000, $0x38;
	[tilespmem:$0x10000] =	vst v63  }
0x115: {  	_ =	swait.ge [sflag:s10], $0x8000  }
0x116: {  	[sflag:s10] =	ssyncset.done $0x0  }
0x117: {  	[sflag:s10] =	ssyncadd.s32 $0xFFFF8000  }
0x118: {  	[hbm4b:s26+s2] =	stream.linear.scatter [tilespmem:s9], [sflag:$0x2], $0x8000, $0x38;
	[tilespmem:$0x10000] =	vst v63  }
0x119: {  	_ = 	snop  }
0x11a: {  	[hbm4b:s28+s2] =	stream.linear.scatter [tilespmem:s9], [sflag:$0x2], $0x8000, $0x38;
	[tilespmem:$0x10000] =	vst v63  }
0x11b: {  	_ = 	snop  }
0x11c: {  	[hbm4b:s29+s2] =	stream.linear.scatter [tilespmem:s9], [sflag:$0x2], $0x8000, $0x38;
	[tilespmem:$0x10000] =	vst v63  }
0x11d: {  	_ = 	snop  }
0x11e: {  	[hbm4b:s30+s2] =	stream.linear.scatter [tilespmem:s9], [sflag:$0x2], $0x8000, $0x38;
	[tilespmem:$0x10000] =	vst v63  }
0x11f: {  	_ =	swait.ge [sflag:s3], $0x8000  }
0x120: {  	[sflag:s3] =	ssyncset.done $0x0  }
0x121: {  	[sflag:s3] =	ssyncadd.s32 $0xFFFF8000  }
0x122: {  	_ =	swait.ge [sflag:s3], $0x8000  }
0x123: {  	[sflag:s3] =	ssyncset.done $0x0  }
0x124: {  	[sflag:s3] =	ssyncadd.s32 $0xFFFF8000  }
0x125: {  	_ =	swait.ge [sflag:s3], $0x8000  }
0x126: {  	[sflag:s3] =	ssyncset.done $0x0  }
0x127: {  	[sflag:s3] =	ssyncadd.s32 $0xFFFF8000  }
0x128: {  	_ =	swait.ge [sflag:s3], $0x8000  }
0x129: {  	[sflag:s3] =	ssyncset.done $0x0  }
0x12a: {  	[sflag:s3] =	ssyncadd.s32 $0xFFFF8000  }
0x12b: {  	[tilespmem:s2], [sflag:$0x1] =	stream.linear.gather [hbm4b:s25+s2], $0x8000, $0x38;
	[tilespmem:$0x10000] =	vst v63  }
0x12c: {  	_ =	swait.ge [sflag:s10], $0x8000  }
0x12d: {  	[sflag:s10] =	ssyncset.done $0x0  }
0x12e: {  	[sflag:s10] =	ssyncadd.s32 $0xFFFF8000  }
0x12f: {  	[hbm4b:s21+s2] =	stream.linear.scatter [tilespmem:s2], [sflag:$0x2], $0x8000, $0x38;
	[tilespmem:$0x10000] =	vst v63  }
0x130: {  	_ = 	snop  }
0x131: {  	[hbm4b:s22+s2] =	stream.linear.scatter [tilespmem:s2], [sflag:$0x2], $0x8000, $0x38;
	[tilespmem:$0x10000] =	vst v63  }
0x132: {  	_ = 	snop  }
0x133: {  	[hbm4b:s23+s2] =	stream.linear.scatter [tilespmem:s2], [sflag:$0x2], $0x8000, $0x38;
	[tilespmem:$0x10000] =	vst v63  }
0x134: {  	_ = 	snop  }
0x135: {  	[hbm4b:s24+s2] =	stream.linear.scatter [tilespmem:s2], [sflag:$0x2], $0x8000, $0x38;
	[tilespmem:$0x10000] =	vst v63  }
0x136: {  	_ =	swait.ge [sflag:s3], $0x8000  }
0x137: {  	[sflag:s3] =	ssyncset.done $0x0  }
0x138: {  	[sflag:s3] =	ssyncadd.s32 $0xFFFF8000  }
0x139: {  	_ =	swait.ge [sflag:s3], $0x8000  }
0x13a: {  	[sflag:s3] =	ssyncset.done $0x0  }
0x13b: {  	[sflag:s3] =	ssyncadd.s32 $0xFFFF8000  }
0x13c: {  	_ =	swait.ge [sflag:s3], $0x8000  }
0x13d: {  	[sflag:s3] =	ssyncset.done $0x0  }
0x13e: {  	[sflag:s3] =	ssyncadd.s32 $0xFFFF8000  }
0x13f: {  	_ =	swait.ge [sflag:s3], $0x8000  }
0x140: {  	[sflag:s3] =	ssyncset.done $0x0  }
0x141: {  	[sflag:s3] =	ssyncadd.s32 $0xFFFF8000  }
0x142: {  	[tilespmem:s9], [sflag:$0x1] =	stream.linear.gather [hbm4b:s20+s2], $0x8000, $0x38;
	[tilespmem:$0x10000] =	vst v63  }
0x143: {  	_ =	swait.ge [sflag:s10], $0x8000  }
0x144: {  	[sflag:s10] =	ssyncset.done $0x0  }
0x145: {  	[sflag:s10] =	ssyncadd.s32 $0xFFFF8000  }
0x146: {  	[hbm4b:s15+s2] =	stream.linear.scatter [tilespmem:s9], [sflag:$0x2], $0x8000, $0x38;
	[tilespmem:$0x10000] =	vst v63  }
0x147: {  	_ = 	snop  }
0x148: {  	[hbm4b:s17+s2] =	stream.linear.scatter [tilespmem:s9], [sflag:$0x2], $0x8000, $0x38;
	[tilespmem:$0x10000] =	vst v63  }
0x149: {  	_ = 	snop  }
0x14a: {  	[hbm4b:s18+s2] =	stream.linear.scatter [tilespmem:s9], [sflag:$0x2], $0x8000, $0x38;
	[tilespmem:$0x10000] =	vst v63  }
0x14b: {  	_ = 	snop  }
0x14c: {  	[hbm4b:s19+s2] =	stream.linear.scatter [tilespmem:s9], [sflag:$0x2], $0x8000, $0x38;
	[tilespmem:$0x10000] =	vst v63  }
0x14d: {  	_ =	swait.ge [sflag:s3], $0x8000  }
0x14e: {  	[sflag:s3] =	ssyncset.done $0x0  }
0x14f: {  	[sflag:s3] =	ssyncadd.s32 $0xFFFF8000  }
0x150: {  	_ =	swait.ge [sflag:s3], $0x8000  }
0x151: {  	[sflag:s3] =	ssyncset.done $0x0  }
0x152: {  	[sflag:s3] =	ssyncadd.s32 $0xFFFF8000  }
0x153: {  	_ =	swait.ge [sflag:s3], $0x8000  }
0x154: {  	[sflag:s3] =	ssyncset.done $0x0  }
0x155: {  	[sflag:s3] =	ssyncadd.s32 $0xFFFF8000  }
0x156: {  	_ =	swait.ge [sflag:s3], $0x8000  }
0x157: {  	[sflag:s3] =	ssyncset.done $0x0  }
0x158: {  	[sflag:s3] =	ssyncadd.s32 $0xFFFF8000  }
0x159: {  	[tilespmem:s2], [sflag:$0x1] =	stream.linear.gather [hbm4b:s12+s2], $0x8000, $0x38;
	[tilespmem:$0x10000] =	vst v63  }
0x15a: {  	_ =	swait.ge [sflag:s10], $0x8000  }
0x15b: {  	[sflag:s10] =	ssyncset.done $0x0  }
0x15c: {  	[sflag:s10] =	ssyncadd.s32 $0xFFFF8000  }
0x15d: {  	[hbm4b:s6+s2] =	stream.linear.scatter [tilespmem:s2], [sflag:$0x2], $0x8000, $0x38;
	[tilespmem:$0x10000] =	vst v63  }
0x15e: {  	_ = 	snop  }
0x15f: {  	[hbm4b:s13+s2] =	stream.linear.scatter [tilespmem:s2], [sflag:$0x2], $0x8000, $0x38;
	[tilespmem:$0x10000] =	vst v63  }
0x160: {  	_ = 	snop  }
0x161: {  	[hbm4b:s14+s2] =	stream.linear.scatter [tilespmem:s2], [sflag:$0x2], $0x8000, $0x38;
	[tilespmem:$0x10000] =	vst v63  }
0x162: {  	_ = 	snop  }
0x163: {  	[hbm4b:s16+s2] =	stream.linear.scatter [tilespmem:s2], [sflag:$0x2], $0x8000, $0x38;
	[tilespmem:$0x10000] =	vst v63  }
0x164: {  	_ =	swait.ge [sflag:s3], $0x8000  }
0x165: {  	[sflag:s3] =	ssyncset.done $0x0  }
0x166: {  	[sflag:s3] =	ssyncadd.s32 $0xFFFF8000  }
0x167: {  	_ =	swait.ge [sflag:s3], $0x8000  }
0x168: {  	[sflag:s3] =	ssyncset.done $0x0  }
0x169: {  	[sflag:s3] =	ssyncadd.s32 $0xFFFF8000  }
0x16a: {  	_ =	swait.ge [sflag:s3], $0x8000  }
0x16b: {  	[sflag:s3] =	ssyncset.done $0x0  }
0x16c: {  	[sflag:s3] =	ssyncadd.s32 $0xFFFF8000  }
0x16d: {  	_ =	swait.ge [sflag:s3], $0x8000  }
0x16e: {  	[sflag:s3] =	ssyncset.done $0x0  }
0x16f: {  	[sflag:s3] =	ssyncadd.s32 $0xFFFF8000  }
0x170: {  	[tilespmem:s9], [sflag:$0x1] =	stream.linear.gather [hbm4b:s5+s2], $0x8000, $0x38;
	[tilespmem:$0x10000] =	vst v63  }
0x171: {  	_ =	swait.ge [sflag:s10], $0x8000  }
0x172: {  	[sflag:s10] =	ssyncset.done $0x0  }
0x173: {  	[sflag:s10] =	ssyncadd.s32 $0xFFFF8000  }
0x174: {  	[hbm4b:s0+s2] =	stream.linear.scatter [tilespmem:s9], [sflag:$0x2], $0x8000, $0x38;
	[tilespmem:$0x10000] =	vst v63  }
0x175: {  	_ = 	snop  }
0x176: {  	[hbm4b:s7+s2] =	stream.linear.scatter [tilespmem:s9], [sflag:$0x2], $0x8000, $0x38;
	[tilespmem:$0x10000] =	vst v63  }
0x177: {  	_ = 	snop  }
0x178: {  	[hbm4b:s8+s2] =	stream.linear.scatter [tilespmem:s9], [sflag:$0x2], $0x8000, $0x38;
	[tilespmem:$0x10000] =	vst v63  }
0x179: {  	_ = 	snop  }
0x17a: {  	[hbm4b:s11+s2] =	stream.linear.scatter [tilespmem:s9], [sflag:$0x2], $0x8000, $0x38;
	[tilespmem:$0x10000] =	vst v63  }
0x17b: {  	_ =	swait.ge [sflag:s3], $0x8000  }
0x17c: {  	[sflag:s3] =	ssyncset.done $0x0  }
0x17d: {  	[sflag:s3] =	ssyncadd.s32 $0xFFFF8000  }
0x17e: {  	_ =	swait.ge [sflag:s3], $0x8000  }
0x17f: {  	[sflag:s3] =	ssyncset.done $0x0  }
0x180: {  	[sflag:s3] =	ssyncadd.s32 $0xFFFF8000  }
0x181: {  	_ =	swait.ge [sflag:s3], $0x8000  }
0x182: {  	[sflag:s3] =	ssyncset.done $0x0  }
0x183: {  	[sflag:s3] =	ssyncadd.s32 $0xFFFF8000  }
0x184: {  	_ =	swait.ge [sflag:s3], $0x8000  }
0x185: {  	[sflag:s3] =	ssyncset.done $0x0  }
0x186: {  	[sflag:s3] =	ssyncadd.s32 $0xFFFF8000  }
0x187: {  	_ =	swait.ge [sflag:s3], $0x8000  }
0x188: {  	[sflag:s3] =	ssyncset.done $0x0  }
0x189: {  	[sflag:s3] =	ssyncadd.s32 $0xFFFF8000  }
0x18a: {  	_ =	swait.ge [sflag:s3], $0x8000  }
0x18b: {  	p1 =	sne.s32 s31, $0x1;
	s31 =	sadd.s32 $0xFFFFFFFF, s31;
	[sflag:s3] =	ssyncset.done $0x0  }
0x18c: {  	s15 =	smov.u32 s12;
	s17 =	smov.u32 s13;
	[sflag:s3] =	ssyncadd.s32 $0xFFFF8000  }
.Ltmp2:
0x18d: {  	s18 =	smov.u32 s7;
	_ =	swait.ge [sflag:s3], $0x8000;
	(pc) =	sbr.rel @p1 .LBB2_2-.Ltmp2, $4  }
0x18e: {  	s12 =	smov.u32 s6;
	s6 =	smov.u32 s5;
	[sflag:s3] =	ssyncset.done $0x0  }
0x18f: {  	s13 =	smov.u32 s14;
	s14 =	smov.u32 s16;
	[sflag:s3] =	ssyncadd.s32 $0xFFFF8000  }
0x190: {  	s5 =	smov.u32 s0;
	s7 =	smov.u32 s8;
	_ =	swait.ge [sflag:s3], $0x8000  }
0x191: {  	s8 =	smov.u32 s11;
	s1 =	rddreg [dreg:$0x3];
	[sflag:s3] =	ssyncset.done $0x0  }
.LBB2_3:
0x192: {  	[sflag:s3] =	ssyncadd.s32 @p0 $0xFFFF8000  }
0x193: {  	[tilespmem:s2], [sflag:$0x1] =	stream.linear.gather [hbm4b:s1+s2], $0x8000, $0x38;
	[tilespmem:$0x10000] =	vst v63  }
0x194: {  	_ =	swait.ge [sflag:s10], $0x8000  }
0x195: {  	[sflag:s10] =	ssyncset.done $0x0  }
0x196: {  	[sflag:s10] =	ssyncadd.s32 $0xFFFF8000  }
0x197: {  	[hbm4b:s4+s2] =	stream.linear.scatter [tilespmem:s2], [sflag:$0x2], $0x8000, $0x38;
	[tilespmem:$0x10000] =	vst v63  }
0x198: {  	s0 =	rddreg [dreg:$0x4]  }
0x199: {  	[hbm4b:s0+s2] =	stream.linear.scatter [tilespmem:s2], [sflag:$0x2], $0x8000, $0x38;
	[tilespmem:$0x10000] =	vst v63  }
0x19a: {  	s16 =	rddreg [dreg:$0x5]  }
0x19b: {  	[hbm4b:s16+s2] =	stream.linear.scatter [tilespmem:s2], [sflag:$0x2], $0x8000, $0x38;
	[tilespmem:$0x10000] =	vst v63  }
0x19c: {  	s31 =	rddreg [dreg:$0x6]  }
0x19d: {  	[hbm4b:s31+s2] =	stream.linear.scatter [tilespmem:s2], [sflag:$0x2], $0x8000, $0x38;
	[tilespmem:$0x10000] =	vst v63  }
0x19e: {  	s4 =	rddreg [dreg:$0x7]  }
0x19f: {  	[tilespmem:s9], [sflag:$0x1] =	stream.linear.gather [hbm4b:s4+s2], $0x8000, $0x38;
	[tilespmem:$0x10000] =	vst v63  }
0x1a0: {  	_ =	swait.ge [sflag:s10], $0x8000  }
0x1a1: {  	[sflag:s10] =	ssyncset.done $0x0  }
0x1a2: {  	s11 =	rddreg [dreg:$0x8];
	[sflag:s10] =	ssyncadd.s32 $0xFFFF8000  }
0x1a3: {  	[hbm4b:s11+s2] =	stream.linear.scatter [tilespmem:s9], [sflag:$0x2], $0x8000, $0x38;
	[tilespmem:$0x10000] =	vst v63  }
0x1a4: {  	s16 =	rddreg [dreg:$0x9]  }
0x1a5: {  	[hbm4b:s16+s2] =	stream.linear.scatter [tilespmem:s9], [sflag:$0x2], $0x8000, $0x38;
	[tilespmem:$0x10000] =	vst v63  }
0x1a6: {  	s31 =	rddreg [dreg:$0xa]  }
0x1a7: {  	[hbm4b:s31+s2] =	stream.linear.scatter [tilespmem:s9], [sflag:$0x2], $0x8000, $0x38;
	[tilespmem:$0x10000] =	vst v63  }
0x1a8: {  	s4 =	rddreg [dreg:$0xb]  }
0x1a9: {  	[hbm4b:s4+s2] =	stream.linear.scatter [tilespmem:s9], [sflag:$0x2], $0x8000, $0x38;
	[tilespmem:$0x10000] =	vst v63  }
0x1aa: {  	_ =	swait.ge [sflag:s3], $0x8000  }
0x1ab: {  	[sflag:s3] =	ssyncset.done $0x0  }
0x1ac: {  	[sflag:s3] =	ssyncadd.s32 $0xFFFF8000  }
0x1ad: {  	_ =	swait.ge [sflag:s3], $0x8000  }
0x1ae: {  	[sflag:s3] =	ssyncset.done $0x0  }
0x1af: {  	[sflag:s3] =	ssyncadd.s32 $0xFFFF8000  }
0x1b0: {  	_ =	swait.ge [sflag:s3], $0x8000  }
0x1b1: {  	[sflag:s3] =	ssyncset.done $0x0  }
0x1b2: {  	[sflag:s3] =	ssyncadd.s32 $0xFFFF8000  }
0x1b3: {  	_ =	swait.ge [sflag:s3], $0x8000  }
0x1b4: {  	[sflag:s3] =	ssyncset.done $0x0  }
0x1b5: {  	s11 =	rddreg [dreg:$0xc];
	[sflag:s3] =	ssyncadd.s32 $0xFFFF8000  }
0x1b6: {  	[tilespmem:s2], [sflag:$0x1] =	stream.linear.gather [hbm4b:s11+s2], $0x8000, $0x38;
	[tilespmem:$0x10000] =	vst v63  }
0x1b7: {  	_ =	swait.ge [sflag:s10], $0x8000  }
0x1b8: {  	[sflag:s10] =	ssyncset.done $0x0  }
0x1b9: {  	s16 =	rddreg [dreg:$0xd];
	[sflag:s10] =	ssyncadd.s32 $0xFFFF8000  }
0x1ba: {  	[hbm4b:s16+s2] =	stream.linear.scatter [tilespmem:s2], [sflag:$0x2], $0x8000, $0x38;
	[tilespmem:$0x10000] =	vst v63  }
0x1bb: {  	s31 =	rddreg [dreg:$0xe]  }
0x1bc: {  	[hbm4b:s31+s2] =	stream.linear.scatter [tilespmem:s2], [sflag:$0x2], $0x8000, $0x38;
	[tilespmem:$0x10000] =	vst v63  }
0x1bd: {  	s4 =	rddreg [dreg:$0xf]  }
0x1be: {  	[hbm4b:s4+s2] =	stream.linear.scatter [tilespmem:s2], [sflag:$0x2], $0x8000, $0x38;
	[tilespmem:$0x10000] =	vst v63  }
0x1bf: {  	s11 =	rddreg [dreg:$0x10]  }
0x1c0: {  	[hbm4b:s11+s2] =	stream.linear.scatter [tilespmem:s2], [sflag:$0x2], $0x8000, $0x38;
	[tilespmem:$0x10000] =	vst v63  }
0x1c1: {  	_ =	swait.ge [sflag:s3], $0x8000  }
0x1c2: {  	[sflag:s3] =	ssyncset.done $0x0  }
0x1c3: {  	[sflag:s3] =	ssyncadd.s32 $0xFFFF8000  }
0x1c4: {  	_ =	swait.ge [sflag:s3], $0x8000  }
0x1c5: {  	[sflag:s3] =	ssyncset.done $0x0  }
0x1c6: {  	[sflag:s3] =	ssyncadd.s32 $0xFFFF8000  }
0x1c7: {  	_ =	swait.ge [sflag:s3], $0x8000  }
0x1c8: {  	[sflag:s3] =	ssyncset.done $0x0  }
0x1c9: {  	[sflag:s3] =	ssyncadd.s32 $0xFFFF8000  }
0x1ca: {  	_ =	swait.ge [sflag:s3], $0x8000  }
0x1cb: {  	[sflag:s3] =	ssyncset.done $0x0  }
0x1cc: {  	s16 =	rddreg [dreg:$0x11];
	[sflag:s3] =	ssyncadd.s32 $0xFFFF8000  }
0x1cd: {  	[tilespmem:s9], [sflag:$0x1] =	stream.linear.gather [hbm4b:s16+s2], $0x8000, $0x38;
	[tilespmem:$0x10000] =	vst v63  }
0x1ce: {  	_ =	swait.ge [sflag:s10], $0x8000  }
0x1cf: {  	[sflag:s10] =	ssyncset.done $0x0  }
0x1d0: {  	[sflag:s10] =	ssyncadd.s32 $0xFFFF8000  }
0x1d1: {  	[hbm4b:s26+s2] =	stream.linear.scatter [tilespmem:s9], [sflag:$0x2], $0x8000, $0x38;
	[tilespmem:$0x10000] =	vst v63  }
0x1d2: {  	_ = 	snop  }
0x1d3: {  	[hbm4b:s28+s2] =	stream.linear.scatter [tilespmem:s9], [sflag:$0x2], $0x8000, $0x38;
	[tilespmem:$0x10000] =	vst v63  }
0x1d4: {  	_ = 	snop  }
0x1d5: {  	[hbm4b:s29+s2] =	stream.linear.scatter [tilespmem:s9], [sflag:$0x2], $0x8000, $0x38;
	[tilespmem:$0x10000] =	vst v63  }
0x1d6: {  	_ = 	snop  }
0x1d7: {  	[hbm4b:s30+s2] =	stream.linear.scatter [tilespmem:s9], [sflag:$0x2], $0x8000, $0x38;
	[tilespmem:$0x10000] =	vst v63  }
0x1d8: {  	_ =	swait.ge [sflag:s3], $0x8000  }
0x1d9: {  	[sflag:s3] =	ssyncset.done $0x0  }
0x1da: {  	[sflag:s3] =	ssyncadd.s32 $0xFFFF8000  }
0x1db: {  	_ =	swait.ge [sflag:s3], $0x8000  }
0x1dc: {  	[sflag:s3] =	ssyncset.done $0x0  }
0x1dd: {  	[sflag:s3] =	ssyncadd.s32 $0xFFFF8000  }
0x1de: {  	_ =	swait.ge [sflag:s3], $0x8000  }
0x1df: {  	[sflag:s3] =	ssyncset.done $0x0  }
0x1e0: {  	[sflag:s3] =	ssyncadd.s32 $0xFFFF8000  }
0x1e1: {  	_ =	swait.ge [sflag:s3], $0x8000  }
0x1e2: {  	[sflag:s3] =	ssyncset.done $0x0  }
0x1e3: {  	[sflag:s3] =	ssyncadd.s32 $0xFFFF8000  }
0x1e4: {  	[tilespmem:s2], [sflag:$0x1] =	stream.linear.gather [hbm4b:s25+s2], $0x8000, $0x38;
	[tilespmem:$0x10000] =	vst v63  }
0x1e5: {  	_ =	swait.ge [sflag:s10], $0x8000  }
0x1e6: {  	[sflag:s10] =	ssyncset.done $0x0  }
0x1e7: {  	[sflag:s10] =	ssyncadd.s32 $0xFFFF8000  }
0x1e8: {  	[hbm4b:s21+s2] =	stream.linear.scatter [tilespmem:s2], [sflag:$0x2], $0x8000, $0x38;
	[tilespmem:$0x10000] =	vst v63  }
0x1e9: {  	_ = 	snop  }
0x1ea: {  	[hbm4b:s22+s2] =	stream.linear.scatter [tilespmem:s2], [sflag:$0x2], $0x8000, $0x38;
	[tilespmem:$0x10000] =	vst v63  }
0x1eb: {  	_ = 	snop  }
0x1ec: {  	[hbm4b:s23+s2] =	stream.linear.scatter [tilespmem:s2], [sflag:$0x2], $0x8000, $0x38;
	[tilespmem:$0x10000] =	vst v63  }
0x1ed: {  	_ = 	snop  }
0x1ee: {  	[hbm4b:s24+s2] =	stream.linear.scatter [tilespmem:s2], [sflag:$0x2], $0x8000, $0x38;
	[tilespmem:$0x10000] =	vst v63  }
0x1ef: {  	_ =	swait.ge [sflag:s3], $0x8000  }
0x1f0: {  	[sflag:s3] =	ssyncset.done $0x0  }
0x1f1: {  	[sflag:s3] =	ssyncadd.s32 $0xFFFF8000  }
0x1f2: {  	_ =	swait.ge [sflag:s3], $0x8000  }
0x1f3: {  	[sflag:s3] =	ssyncset.done $0x0  }
0x1f4: {  	[sflag:s3] =	ssyncadd.s32 $0xFFFF8000  }
0x1f5: {  	_ =	swait.ge [sflag:s3], $0x8000  }
0x1f6: {  	[sflag:s3] =	ssyncset.done $0x0  }
0x1f7: {  	[sflag:s3] =	ssyncadd.s32 $0xFFFF8000  }
0x1f8: {  	_ =	swait.ge [sflag:s3], $0x8000  }
0x1f9: {  	[sflag:s3] =	ssyncset.done $0x0  }
0x1fa: {  	[sflag:s3] =	ssyncadd.s32 $0xFFFF8000  }
0x1fb: {  	[tilespmem:s9], [sflag:$0x1] =	stream.linear.gather [hbm4b:s20+s2], $0x8000, $0x38;
	[tilespmem:$0x10000] =	vst v63  }
0x1fc: {  	_ =	swait.ge [sflag:s10], $0x8000  }
0x1fd: {  	[sflag:s10] =	ssyncset.done $0x0  }
0x1fe: {  	s28 =	rddreg [dreg:$0x13];
	[sflag:s10] =	ssyncadd.s32 $0xFFFF8000  }
0x1ff: {  	[hbm4b:s28+s2] =	stream.linear.scatter [tilespmem:s9], [sflag:$0x2], $0x8000, $0x38;
	[tilespmem:$0x10000] =	vst v63  }
0x200: {  	s29 =	rddreg [dreg:$0x14]  }
0x201: {  	[hbm4b:s29+s2] =	stream.linear.scatter [tilespmem:s9], [sflag:$0x2], $0x8000, $0x38;
	[tilespmem:$0x10000] =	vst v63  }
0x202: {  	s30 =	rddreg [dreg:$0x15]  }
0x203: {  	[hbm4b:s30+s2] =	stream.linear.scatter [tilespmem:s9], [sflag:$0x2], $0x8000, $0x38;
	[tilespmem:$0x10000] =	vst v63  }
0x204: {  	_ = 	snop  }
0x205: {  	[hbm4b:s19+s2] =	stream.linear.scatter [tilespmem:s9], [sflag:$0x2], $0x8000, $0x38;
	[tilespmem:$0x10000] =	vst v63  }
0x206: {  	_ =	swait.ge [sflag:s3], $0x8000  }
0x207: {  	[sflag:s3] =	ssyncset.done $0x0  }
0x208: {  	[sflag:s3] =	ssyncadd.s32 $0xFFFF8000  }
0x209: {  	_ =	swait.ge [sflag:s3], $0x8000  }
0x20a: {  	[sflag:s3] =	ssyncset.done $0x0  }
0x20b: {  	[sflag:s3] =	ssyncadd.s32 $0xFFFF8000  }
0x20c: {  	_ =	swait.ge [sflag:s3], $0x8000  }
0x20d: {  	[sflag:s3] =	ssyncset.done $0x0  }
0x20e: {  	[sflag:s3] =	ssyncadd.s32 $0xFFFF8000  }
0x20f: {  	_ =	swait.ge [sflag:s3], $0x8000  }
0x210: {  	[sflag:s3] =	ssyncset.done $0x0  }
0x211: {  	[sflag:s3] =	ssyncadd.s32 $0xFFFF8000  }
0x212: {  	[tilespmem:s2], [sflag:$0x1] =	stream.linear.gather [hbm4b:s15+s2], $0x8000, $0x38;
	[tilespmem:$0x10000] =	vst v63  }
0x213: {  	_ =	swait.ge [sflag:s10], $0x8000  }
0x214: {  	[sflag:s10] =	ssyncset.done $0x0  }
0x215: {  	[sflag:s10] =	ssyncadd.s32 $0xFFFF8000  }
0x216: {  	[hbm4b:s12+s2] =	stream.linear.scatter [tilespmem:s2], [sflag:$0x2], $0x8000, $0x38;
	[tilespmem:$0x10000] =	vst v63  }
0x217: {  	_ = 	snop  }
0x218: {  	[hbm4b:s17+s2] =	stream.linear.scatter [tilespmem:s2], [sflag:$0x2], $0x8000, $0x38;
	[tilespmem:$0x10000] =	vst v63  }
0x219: {  	_ = 	snop  }
0x21a: {  	[hbm4b:s13+s2] =	stream.linear.scatter [tilespmem:s2], [sflag:$0x2], $0x8000, $0x38;
	[tilespmem:$0x10000] =	vst v63  }
0x21b: {  	_ = 	snop  }
0x21c: {  	[hbm4b:s14+s2] =	stream.linear.scatter [tilespmem:s2], [sflag:$0x2], $0x8000, $0x38;
	[tilespmem:$0x10000] =	vst v63  }
0x21d: {  	_ =	swait.ge [sflag:s3], $0x8000  }
0x21e: {  	[sflag:s3] =	ssyncset.done $0x0  }
0x21f: {  	[sflag:s3] =	ssyncadd.s32 $0xFFFF8000  }
0x220: {  	_ =	swait.ge [sflag:s3], $0x8000  }
0x221: {  	[sflag:s3] =	ssyncset.done $0x0  }
0x222: {  	[sflag:s3] =	ssyncadd.s32 $0xFFFF8000  }
0x223: {  	_ =	swait.ge [sflag:s3], $0x8000  }
0x224: {  	[sflag:s3] =	ssyncset.done $0x0  }
0x225: {  	[sflag:s3] =	ssyncadd.s32 $0xFFFF8000  }
0x226: {  	_ =	swait.ge [sflag:s3], $0x8000  }
0x227: {  	[sflag:s3] =	ssyncset.done $0x0  }
0x228: {  	[sflag:s3] =	ssyncadd.s32 $0xFFFF8000  }
0x229: {  	[tilespmem:s9], [sflag:$0x1] =	stream.linear.gather [hbm4b:s6+s2], $0x8000, $0x38;
	[tilespmem:$0x10000] =	vst v63  }
0x22a: {  	_ =	swait.ge [sflag:s10], $0x8000  }
0x22b: {  	[sflag:s10] =	ssyncset.done $0x0  }
0x22c: {  	[sflag:s10] =	ssyncadd.s32 $0xFFFF8000  }
0x22d: {  	[hbm4b:s5+s2] =	stream.linear.scatter [tilespmem:s9], [sflag:$0x2], $0x8000, $0x38;
	[tilespmem:$0x10000] =	vst v63  }
0x22e: {  	_ = 	snop  }
0x22f: {  	[hbm4b:s18+s2] =	stream.linear.scatter [tilespmem:s9], [sflag:$0x2], $0x8000, $0x38;
	[tilespmem:$0x10000] =	vst v63  }
0x230: {  	_ = 	snop  }
0x231: {  	[hbm4b:s7+s2] =	stream.linear.scatter [tilespmem:s9], [sflag:$0x2], $0x8000, $0x38;
	[tilespmem:$0x10000] =	vst v63  }
0x232: {  	_ = 	snop  }
0x233: {  	[hbm4b:s8+s2] =	stream.linear.scatter [tilespmem:s9], [sflag:$0x2], $0x8000, $0x38;
	[tilespmem:$0x10000] =	vst v63  }
0x234: {  	_ =	swait.ge [sflag:s3], $0x8000  }
0x235: {  	[sflag:s3] =	ssyncset.done $0x0  }
0x236: {  	[sflag:s3] =	ssyncadd.s32 $0xFFFF8000  }
0x237: {  	_ =	swait.ge [sflag:s3], $0x8000  }
0x238: {  	[sflag:s3] =	ssyncset.done $0x0  }
0x239: {  	[sflag:s3] =	ssyncadd.s32 $0xFFFF8000  }
0x23a: {  	_ =	swait.ge [sflag:s3], $0x8000  }
0x23b: {  	[sflag:s3] =	ssyncset.done $0x0  }
0x23c: {  	[sflag:s3] =	ssyncadd.s32 $0xFFFF8000  }
0x23d: {  	_ =	swait.ge [sflag:s3], $0x8000  }
0x23e: {  	[sflag:s3] =	ssyncset.done $0x0  }
0x23f: {  	[sflag:s3] =	ssyncadd.s32 $0xFFFF8000  }
0x240: {  	_ =	swait.ge [sflag:s3], $0x8000  }
0x241: {  	[sflag:s3] =	ssyncset.done $0x0  }
0x242: {  	[sflag:s3] =	ssyncadd.s32 $0xFFFF8000  }
0x243: {  	_ =	swait.ge [sflag:s3], $0x8000  }
0x244: {  	[sflag:s3] =	ssyncset.done $0x0  }
0x245: {  	[sflag:s3] =	ssyncadd.s32 $0xFFFF8000  }
0x246: {  	_ =	swait.ge [sflag:s3], $0x8000  }
0x247: {  	[sflag:s3] =	ssyncset.done $0x0  }
0x248: {  	[sflag:s3] =	ssyncadd.s32 $0xFFFF8000  }
0x249: {  	_ =	swait.ge [sflag:s3], $0x8000  }
0x24a: {  	[sflag:s3] =	ssyncset.done $0x0  }
0x24b: {  	[sflag:s3] =	ssyncadd.s32 $0xFFFF8000  }
0x24c: {  	_ =	sfence.sel $0x180000  }
0x24d: {  	[bflag:$0x0] =	sbarrier.arrive $0xFFFF  }
0x24e: {  	_ =	strace $0x90000047  }
0x24f: {  	s31 =	stileid.u32;
	[bflag:$0x2] =	sbarrier.arrive $0xFFFF  }
0x250: {  	p0 =	sne.s32 s31, $0x0;
	s0 =	rddreg [dreg:$0x2]  }
0x251: {  	s0 =	sadd.s32 @!p0 $0x100000, s0  }
0x252: {  	[sflag:s0] =	ssyncadd.tile.s32 @!p0 $0x1;
	_ =	shalt  }
.Lfunc_end2:
_tile_overlayer_lowered:
.L_overlay_start_2:
0x253: {  	(tag) =	ssettag $0x2  }
0x254: {  	s0 =	rddreg [dreg:$0x0];
	s2 =	stileid.u32  }
0x255: {  	s1 =	rddreg [dreg:$0x1];
	p0 =	sne.s32 s2, $0x0  }
0x256: {  	s3 =	rddreg [dreg:$0x2];
	[bflag:$0x3] =	sbarrier.arrive $0xFFFF;
	s2 =	simm.s32 @!p0 $0x1C03  }
0x257: {  	[timem:s3], [sflag:s2] =	dma.local @!p0 [hbm:s0], s1  }
0x258: {  	s0 =	simm.s32 @!p0 $0x3  }
0x259: {  	_ =	swait.ge @!p0 [sflag:s0], s1  }
0x25a: {  	s1 =	ssub.s32 @!p0 $0x0, s1;
	[sflag:s0] =	ssyncset.done @!p0 $0x0  }
0x25b: {  	[sflag:s0] =	ssyncadd.s32 @!p0 s1  }
0x25c: {  	[bflag:$0x3] =	sbarrier.arrive $0xFFFF  }
0x25d: {  	_ =	shalt  }

</sc_bundles>
